<compile_context>
chip_gen: v7x
topology: tpu7x:2x2x1
jax: 0.10.2.dev20260603
libtpu: 0.0.44.dev20260713+nightly
codegen_flags: <defaults>
</compile_context>

<pallas_src>
import numpy as np
import jax
import jax.numpy as jnp
from jax.experimental import pallas as pl
from jax.experimental.pallas import tpu as pltpu

SR = 44100
T = 88200
N1 = 294
N2 = 300
B = 32
C = 2
LN10 = float(np.log(10.0))


def _dft_consts():
    def dftm(n):
        jk = np.outer(np.arange(n), np.arange(n)) % n
        w = np.exp(-2j * np.pi * jk / n)
        return w.real.astype(np.float32), w.imag.astype(np.float32)

    f1re, f1im = dftm(N1)
    f2re, f2im = dftm(N2)
    jn = np.outer(np.arange(N1), np.arange(N2)) % T
    tw = np.exp(-2j * np.pi * jn / T)
    return (f1re, f1im, f2re, f2im,
            tw.real.astype(np.float32), tw.imag.astype(np.float32))


_F1RE, _F1IM, _F2RE, _F2IM, _TWRE, _TWIM = _dft_consts()
_TW2RE = np.concatenate([_TWRE, _TWRE], axis=1)
_TW2IM = np.concatenate([_TWIM, _TWIM], axis=1)
_TWVRE = np.concatenate([_TWRE, _TWRE], axis=0)
_TWVIM = np.concatenate([_TWIM, _TWIM], axis=0)

_KLIN = np.arange(T)
_FOLD = np.minimum(_KLIN, T - _KLIN).astype(np.int32)
_SGN_K = (np.where(_KLIN <= T // 2, 1.0, -1.0)
          .astype(np.float32).reshape(N2, N1).T.copy())
_SGN_V = np.concatenate([_SGN_K, _SGN_K], axis=0)


def _kmat_v(v_rfft):
    m = jnp.take(v_rfft, _FOLD).reshape(N2, N1).T
    return jnp.concatenate([m, m], axis=0)


def _fx_body(x_ref, p_ref, lab_ref,
             f1re_ref, f1im_ref, f2re_ref, f2im_ref,
             twre_ref, twim_ref, tw2re_ref, tw2im_ref,
             twvre_ref, twvim_ref,
             wl_ref, wm_ref, wh_ref, m2pf_ref, sgn_ref, noise_ref, t_ref,
             out_ref):
    b = pl.program_id(0)
    lab = lab_ref[b]

    def mm(a, bb):
        return jax.lax.dot_general(
            a, bb, (((1,), (0,)), ((), ())),
            preferred_element_type=jnp.float32,
            precision=jax.lax.Precision.DEFAULT)

    def fwd2():
        a2 = jnp.concatenate([x_ref[0, 0], x_ref[0, 1]], axis=1)
        br = mm(f1re_ref[...], a2)
        bi = mm(f1im_ref[...], a2)
        cr = br * tw2re_ref[...] - bi * tw2im_ref[...]
        ci = br * tw2im_ref[...] + bi * tw2re_ref[...]
        crv = jnp.concatenate([cr[:, :N2], cr[:, N2:]], axis=0)
        civ = jnp.concatenate([ci[:, :N2], ci[:, N2:]], axis=0)
        f2re = f2re_ref[...]
        f2im = f2im_ref[...]
        return (mm(crv, f2re) - mm(civ, f2im),
                mm(crv, f2im) + mm(civ, f2re))

    def inv2(yr, yi):
        f2re = f2re_ref[...]
        f2im = f2im_ref[...]
        dr = mm(yr, f2re) + mm(yi, f2im)
        di = mm(yi, f2re) - mm(yr, f2im)
        er = dr * twvre_ref[...] + di * twvim_ref[...]
        ei = di * twvre_ref[...] - dr * twvim_ref[...]
        erh = jnp.concatenate([er[:N1], er[N1:]], axis=1)
        eih = jnp.concatenate([ei[:N1], ei[N1:]], axis=1)
        out = mm(f1re_ref[...], erh) + mm(f1im_ref[...], eih)
        return out * jnp.float32(1.0 / T)

    def fwd1(a):
        br = mm(f1re_ref[...], a)
        bi = mm(f1im_ref[...], a)
        cr = br * twre_ref[...] - bi * twim_ref[...]
        ci = br * twim_ref[...] + bi * twre_ref[...]
        f2re = f2re_ref[...]
        f2im = f2im_ref[...]
        return (mm(cr, f2re) - mm(ci, f2im),
                mm(cr, f2im) + mm(ci, f2re))

    def store2(res):
        out_ref[0, 0] = res[:, :N2]
        out_ref[0, 1] = res[:, N2:]

    def br_eq():
        gl = p_ref[b, 0]
        gm = p_ref[b, 1]
        gh = p_ref[b, 2]
        curve = (wl_ref[...] * gl + wm_ref[...] * gm + wh_ref[...] * gh)
        g = jnp.exp(curve * jnp.float32(LN10 / 20.0))
        xr, xi = fwd2()
        store2(inv2(xr * g, xi * g))

    def br_dist():
        g = p_ref[b, 3]
        for c in range(C):
            out_ref[0, c] = jnp.tanh(g * x_ref[0, c])

    def br_mbc():
        xr, xi = fwd2()
        accr = jnp.zeros((2 * N1, N2), jnp.float32)
        acci = jnp.zeros((2 * N1, N2), jnp.float32)
        for i, w_ref in enumerate((wl_ref, wm_ref, wh_ref)):
            w = w_ref[...]
            sr = xr * w
            si = xi * w
            thr = p_ref[b, 4 + 2 * i]
            ratio = p_ref[b, 5 + 2 * i]
            gs = []
            for c in range(C):
                pr = sr[c * N1:(c + 1) * N1]
                pi = si[c * N1:(c + 1) * N1]
                ms = jnp.sum(pr * pr + pi * pi) * jnp.float32(1.0 / T / T)
                msm = jnp.full((N1, N2), ms, jnp.float32)
                rms = jnp.sqrt(msm + 1e-8)
                lvl = jnp.log(rms + 1e-8) * jnp.float32(20.0 / LN10)
                gdb = jnp.where(lvl > thr,
                                (thr - lvl) * (1.0 - 1.0 / ratio), 0.0)
                gs.append(jnp.exp(gdb * jnp.float32(LN10 / 20.0)))
            g2 = jnp.concatenate(gs, axis=0)
            accr = accr + sr * g2
            acci = acci + si * g2
        store2(inv2(accr, acci))

    def br_gain():
        g = p_ref[b, 10]
        for c in range(C):
            out_ref[0, c] = g * x_ref[0, c]

    def br_lim():
        thr = p_ref[b, 11]
        for c in range(C):
            out_ref[0, c] = thr * jnp.tanh(x_ref[0, c] / thr)

    def br_img():
        w = p_ref[b, 12]
        x0 = x_ref[0, 0]
        x1 = x_ref[0, 1]
        mid = 0.5 * (x0 + x1)
        side = 0.5 * (x0 - x1)
        out_ref[0, 0] = mid + w * side
        out_ref[0, 1] = mid - w * side

    def br_delay():
        d = p_ref[b, 13]
        wet = p_ref[b, 14]
        ang = m2pf_ref[...] * d
        hre = jnp.cos(ang)
        him = sgn_ref[...] * jnp.sin(ang)
        xr, xi = fwd2()
        wet_sig = inv2(xr * hre - xi * him, xr * him + xi * hre)
        x2 = jnp.concatenate([x_ref[0, 0], x_ref[0, 1]], axis=1)
        store2((1.0 - wet) * x2 + wet * wet_sig)

    def br_rev():
        de = p_ref[b, 15]
        wet = p_ref[b, 16]
        ir = noise_ref[...] * jnp.exp((-t_ref[...]) / de)
        e = jnp.sum(ir * ir)
        den = jnp.sqrt(jnp.full((N1, N2), e, jnp.float32)) + 1e-6
        irr, iri = fwd1(ir / den)
        irr2 = jnp.concatenate([irr, irr], axis=0)
        iri2 = jnp.concatenate([iri, iri], axis=0)
        xr, xi = fwd2()
        wet_sig = inv2(xr * irr2 - xi * iri2, xr * iri2 + xi * irr2)
        x2 = jnp.concatenate([x_ref[0, 0], x_ref[0, 1]], axis=1)
        store2((1.0 - wet) * x2 + wet * wet_sig)

    branches = (br_eq, br_dist, br_mbc, br_gain, br_lim, br_img,
                br_delay, br_rev)
    for i, br in enumerate(branches):
        pl.when(lab == i)(br)


def kernel(x, nn_param, labels):
    freqs = jnp.fft.rfftfreq(T, 1.0 / SR)
    lf = jnp.log10(freqs + 1e-3)
    t1 = jax.nn.sigmoid((lf - np.log10(250.0)) * 8.0)
    t2 = jax.nn.sigmoid((lf - np.log10(4000.0)) * 8.0)
    w_low = 1.0 - t1
    w_high = t2
    w_mid = t1 * (1.0 - t2)
    wl_v = _kmat_v(w_low)
    wm_v = _kmat_v(w_mid)
    wh_v = _kmat_v(w_high)
    m2pf_v = _kmat_v((-2.0 * jnp.pi) * freqs)
    noise_n = jax.random.normal(jax.random.key(42), (T,),
                                dtype=jnp.float32).reshape(N1, N2)
    t_n = (jnp.arange(T, dtype=jnp.float32) / SR).reshape(N1, N2)

    p = nn_param

    def dn(v, lo, hi):
        return lo + v * (hi - lo)

    ptab = jnp.stack([
        dn(p[:, 0], -12.0, 12.0),
        dn(p[:, 1], -12.0, 12.0),
        dn(p[:, 2], -12.0, 12.0),
        10.0 ** (dn(p[:, 3], 0.0, 8.0) / 20.0),
        dn(p[:, 4], -30.0, -5.0),
        dn(p[:, 5], 1.5, 6.0),
        dn(p[:, 6], -30.0, -5.0),
        dn(p[:, 7], 1.5, 6.0),
        dn(p[:, 8], -30.0, -5.0),
        dn(p[:, 9], 1.5, 6.0),
        10.0 ** (dn(p[:, 10], 6.0, 12.0) / 20.0),
        10.0 ** (dn(p[:, 11], -20.0, -1e-3) / 20.0),
        p[:, 12],
        dn(p[:, 13], 0.0, 300.0) / 1000.0,
        dn(p[:, 14], 0.1, 0.7),
        dn(p[:, 15], 0.05, 1.0) + 1e-4,
        dn(p[:, 16], 0.1, 0.7),
    ], axis=1).astype(jnp.float32)

    x4 = x.reshape(B, C, N1, N2)

    def cmat(a):
        nd = a.ndim
        return pl.BlockSpec(a.shape, lambda b, _n=nd: (0,) * _n)

    consts = (jnp.asarray(_F1RE), jnp.asarray(_F1IM),
              jnp.asarray(_F2RE), jnp.asarray(_F2IM),
              jnp.asarray(_TWRE), jnp.asarray(_TWIM),
              jnp.asarray(_TW2RE), jnp.asarray(_TW2IM),
              jnp.asarray(_TWVRE), jnp.asarray(_TWVIM),
              wl_v, wm_v, wh_v, m2pf_v, jnp.asarray(_SGN_V),
              noise_n, t_n)

    out4 = pl.pallas_call(
        _fx_body,
        grid=(B,),
        in_specs=[
            pl.BlockSpec((1, C, N1, N2), lambda b: (b, 0, 0, 0)),
            pl.BlockSpec(memory_space=pltpu.SMEM),
            pl.BlockSpec(memory_space=pltpu.SMEM),
        ] + [cmat(a) for a in consts],
        out_specs=pl.BlockSpec((1, C, N1, N2), lambda b: (b, 0, 0, 0)),
        out_shape=jax.ShapeDtypeStruct((B, C, N1, N2), jnp.float32),
    )(x4, ptab, labels, *consts)

    out = out4.reshape(B, C, T)
    activate = jax.nn.one_hot(labels, 8, dtype=x.dtype)
    return (out, nn_param, activate, labels)

# --- scband reference (transcript-rebuilt; emitter-appended) ---
"""Pipeline reference for scband-random-single-fx-chain-10986526343812 (READ-ONLY COPY).

The authoritative reference and input builder live on the scoring server;
editing this copy changes nothing except your own understanding.
"""

import jax, jax.numpy as jnp
import numpy as np

SR = 44100
NUM_PARAMS = [3, 1, 6, 1, 1, 1, 2, 2]  # eq, distortion, multiband_comp, gain, limiter, imager, delay, reverb


def setup_inputs(seed: int = 0) -> dict:
    key = jax.random.key(seed)
    k1, k2, k3 = jax.random.split(key, 3)
    x = jax.random.normal(k1, (32, 2, 88200), dtype=jnp.float32) * 0.1
    nn_param = jax.random.uniform(k2, (32, 17), dtype=jnp.float32)
    labels = jax.random.randint(k3, (32,), 0, 8)
    return {"x": x, "nn_param": nn_param, "labels": labels}


def _band_weights(freqs):
    lf = jnp.log10(freqs + 1e-3)
    t1 = jax.nn.sigmoid((lf - np.log10(250.0)) * 8.0)
    t2 = jax.nn.sigmoid((lf - np.log10(4000.0)) * 8.0)
    w_low = 1.0 - t1
    w_high = t2
    w_mid = t1 * (1.0 - t2)
    return w_low, w_mid, w_high


def _chain(x, nn_param, labels):
    B, C, T = x.shape
    freqs = jnp.fft.rfftfreq(T, 1.0 / SR)
    wL, wM, wH = _band_weights(freqs)
    dn = lambda p, lo, hi: lo + p * (hi - lo)

    def proc_eq(xx, p):
        gl = dn(p[:, 0], -12.0, 12.0)[:, None]
        gm = dn(p[:, 1], -12.0, 12.0)[:, None]
        gh = dn(p[:, 2], -12.0, 12.0)[:, None]
        curve_db = wL[None, :] * gl + wM[None, :] * gm + wH[None, :] * gh
        G = 10.0 ** (curve_db / 20.0)
        X = jnp.fft.rfft(xx, axis=-1)
        return jnp.fft.irfft(X * G.astype(xx.dtype)[:, None, :], n=T, axis=-1).astype(G.dtype)

    def proc_dist(xx, p):
        g = (10.0 ** (dn(p[:, 0], 0.0, 8.0) / 20.0))[:, None, None]
        return jnp.tanh(g * xx)

    def proc_mbc(xx, p):
        X = jnp.fft.rfft(xx, axis=-1)
        out = 0.0
        for bi, w in enumerate((wL, wM, wH)):
            band = jnp.fft.irfft(X * w.astype(xx.dtype)[None, None, :], n=T, axis=-1).astype(w.dtype)
            thr = dn(p[:, 2 * bi], -30.0, -5.0)[:, None, None]
            ratio = dn(p[:, 2 * bi + 1], 1.5, 6.0)[:, None, None]
            rms = jnp.sqrt(jnp.mean(band ** 2, axis=-1, keepdims=True) + 1e-8)
            lvl = 20.0 * jnp.log10(rms + 1e-8)
            gdb = jnp.where(lvl > thr, (thr - lvl) * (1.0 - 1.0 / ratio), 0.0)
            out = out + band * 10.0 ** (gdb / 20.0)
        return out

    def proc_gain(xx, p):
        return xx * (10.0 ** (dn(p[:, 0], 6.0, 12.0) / 20.0))[:, None, None]

    def proc_lim(xx, p):
        thr = (10.0 ** (dn(p[:, 0], -20.0, -1e-3) / 20.0))[:, None, None]
        return thr * jnp.tanh(xx / thr)

    def proc_img(xx, p):
        w = dn(p[:, 0], 0.0, 1.0)[:, None]
        mid = 0.5 * (xx[:, 0, :] + xx[:, 1, :])
        side = 0.5 * (xx[:, 0, :] - xx[:, 1, :])
        return jnp.stack([mid + w * side, mid - w * side], axis=1)

    def proc_delay(xx, p):
        d = dn(p[:, 0], 0.0, 300.0) / 1000.0
        wet = dn(p[:, 1], 0.1, 0.7)[:, None, None]
        X = jnp.fft.rfft(xx, axis=-1)
        ang = -2.0 * jnp.pi * freqs[None, :] * d[:, None]
        phase = jnp.exp(1j * ang.astype(xx.dtype))
        wet_sig = jnp.fft.irfft(X * phase[:, None, :], n=T, axis=-1).astype(ang.dtype)
        return (1.0 - wet) * xx + wet * wet_sig

    def proc_reverb(xx, p):
        decay = dn(p[:, 0], 0.05, 1.0)
        wet = dn(p[:, 1], 0.1, 0.7)[:, None, None]
        t = jnp.arange(T, dtype=jnp.float32) / SR
        noise = jax.random.normal(jax.random.key(42), (T,), dtype=jnp.float32)
        ir = noise[None, :] * jnp.exp(-t[None, :] / (decay[:, None] + 1e-4))
        ir = ir / (jnp.sqrt(jnp.sum(ir ** 2, axis=-1, keepdims=True)) + 1e-6)
        X = jnp.fft.rfft(xx, axis=-1)
        IR = jnp.fft.rfft(ir, axis=-1)
        wet_sig = jnp.fft.irfft(X * IR[:, None, :], n=T, axis=-1)
        return (1.0 - wet) * xx + wet * wet_sig

    procs = [proc_eq, proc_dist, proc_mbc, proc_gain, proc_lim, proc_img, proc_delay, proc_reverb]
    starts = np.cumsum([0] + NUM_PARAMS)
    onehot = jax.nn.one_hot(labels, len(procs), dtype=x.dtype)
    out = jnp.zeros_like(x)
    for i, proc in enumerate(procs):
        ps, pe = int(starts[i]), int(starts[i + 1])
        y = proc(x, nn_param[:, ps:pe])
        out = out + onehot[:, i][:, None, None] * y
    return out, onehot


def reference(x, nn_param, labels):
    out, activate = _chain(x, nn_param, labels)
    return (out, nn_param, activate, labels)

if __name__ == "__main__":
    import jax
    _d = setup_inputs()
    print(jax.jit(kernel)(*tuple(_d.values())))

</pallas_src>

<mosaic_0001>
module attributes {stable_mosaic.version = 14 : i64} {
  func.func @_fx_body(%arg0: i32, %arg1: memref<1x2x294x300xf32, #tpu.memory_space<vmem>>, %arg2: memref<32x17xf32, #tpu.memory_space<smem>>, %arg3: memref<32xi32, #tpu.memory_space<smem>>, %arg4: memref<294x294xf32, #tpu.memory_space<vmem>>, %arg5: memref<294x294xf32, #tpu.memory_space<vmem>>, %arg6: memref<300x300xf32, #tpu.memory_space<vmem>>, %arg7: memref<300x300xf32, #tpu.memory_space<vmem>>, %arg8: memref<294x300xf32, #tpu.memory_space<vmem>>, %arg9: memref<294x300xf32, #tpu.memory_space<vmem>>, %arg10: memref<294x600xf32, #tpu.memory_space<vmem>>, %arg11: memref<294x600xf32, #tpu.memory_space<vmem>>, %arg12: memref<588x300xf32, #tpu.memory_space<vmem>>, %arg13: memref<588x300xf32, #tpu.memory_space<vmem>>, %arg14: memref<588x300xf32, #tpu.memory_space<vmem>>, %arg15: memref<588x300xf32, #tpu.memory_space<vmem>>, %arg16: memref<588x300xf32, #tpu.memory_space<vmem>>, %arg17: memref<588x300xf32, #tpu.memory_space<vmem>>, %arg18: memref<588x300xf32, #tpu.memory_space<vmem>>, %arg19: memref<294x300xf32, #tpu.memory_space<vmem>>, %arg20: memref<294x300xf32, #tpu.memory_space<vmem>>, %arg21: memref<1x2x294x300xf32, #tpu.memory_space<vmem>>) attributes {dimension_semantics = [#tpu.dimension_semantics<arbitrary>], iteration_bounds = array<i64: 32>, scalar_prefetch = 0 : i64, scratch_operands = 0 : i64, tpu.core_type = #tpu.core_type<tc>, window_params = [{transform_indices = @transform_0, window_bounds = array<i64: 1, 2, 294, 300>}, {transform_indices = @transform_1, window_bounds = array<i64: 32, 17>}, {transform_indices = @transform_2, window_bounds = array<i64: 32>}, {pipeline_mode = #tpu.pipeline_mode<synchronous>, transform_indices = @transform_3, window_bounds = array<i64: 294, 294>}, {pipeline_mode = #tpu.pipeline_mode<synchronous>, transform_indices = @transform_4, window_bounds = array<i64: 294, 294>}, {pipeline_mode = #tpu.pipeline_mode<synchronous>, transform_indices = @transform_5, window_bounds = array<i64: 300, 300>}, {pipeline_mode = #tpu.pipeline_mode<synchronous>, transform_indices = @transform_6, window_bounds = array<i64: 300, 300>}, {pipeline_mode = #tpu.pipeline_mode<synchronous>, transform_indices = @transform_7, window_bounds = array<i64: 294, 300>}, {pipeline_mode = #tpu.pipeline_mode<synchronous>, transform_indices = @transform_8, window_bounds = array<i64: 294, 300>}, {pipeline_mode = #tpu.pipeline_mode<synchronous>, transform_indices = @transform_9, window_bounds = array<i64: 294, 600>}, {pipeline_mode = #tpu.pipeline_mode<synchronous>, transform_indices = @transform_10, window_bounds = array<i64: 294, 600>}, {pipeline_mode = #tpu.pipeline_mode<synchronous>, transform_indices = @transform_11, window_bounds = array<i64: 588, 300>}, {pipeline_mode = #tpu.pipeline_mode<synchronous>, transform_indices = @transform_12, window_bounds = array<i64: 588, 300>}, {pipeline_mode = #tpu.pipeline_mode<synchronous>, transform_indices = @transform_13, window_bounds = array<i64: 588, 300>}, {pipeline_mode = #tpu.pipeline_mode<synchronous>, transform_indices = @transform_14, window_bounds = array<i64: 588, 300>}, {pipeline_mode = #tpu.pipeline_mode<synchronous>, transform_indices = @transform_15, window_bounds = array<i64: 588, 300>}, {pipeline_mode = #tpu.pipeline_mode<synchronous>, transform_indices = @transform_16, window_bounds = array<i64: 588, 300>}, {pipeline_mode = #tpu.pipeline_mode<synchronous>, transform_indices = @transform_17, window_bounds = array<i64: 588, 300>}, {pipeline_mode = #tpu.pipeline_mode<synchronous>, transform_indices = @transform_18, window_bounds = array<i64: 294, 300>}, {pipeline_mode = #tpu.pipeline_mode<synchronous>, transform_indices = @transform_19, window_bounds = array<i64: 294, 300>}, {transform_indices = @transform_20, window_bounds = array<i64: 1, 2, 294, 300>}]} {
    %get3A = arith.index_cast %arg0 : i32 to index
    %get3A_0 = memref.load %arg3[%get3A] : memref<32xi32, #tpu.memory_space<smem>>
    %eq3A = arith.constant 0 : i32
    %eq3A_1 = arith.cmpi eq, %get3A_0, %eq3A : i32
    %convert_element_type3A = arith.extui %eq3A_1 : i1 to i32
    %cond3A = arith.constant 0 : i32
    %cond3A_2 = arith.cmpi ne, %convert_element_type3A, %cond3A : i32
    scf.if %cond3A_2 {
      %get3A_38 = arith.index_cast %arg0 : i32 to index
      %get3A_39 = arith.constant 0 : index
      %get3A_40 = memref.load %arg2[%get3A_38, %get3A_39] : memref<32x17xf32, #tpu.memory_space<smem>>
      %get3A_41 = arith.index_cast %arg0 : i32 to index
      %get3A_42 = arith.constant 1 : index
      %get3A_43 = memref.load %arg2[%get3A_41, %get3A_42] : memref<32x17xf32, #tpu.memory_space<smem>>
      %get3A_44 = arith.index_cast %arg0 : i32 to index
      %get3A_45 = arith.constant 2 : index
      %get3A_46 = memref.load %arg2[%get3A_44, %get3A_45] : memref<32x17xf32, #tpu.memory_space<smem>>
      %get3A_47 = arith.constant 0 : index
      %get3A_48 = arith.constant 0 : index
      %get3A_49 = vector.load %arg14[%get3A_47, %get3A_48] : memref<588x300xf32, #tpu.memory_space<vmem>>, vector<588x300xf32>
      %mul3A = vector.broadcast %get3A_40 : f32 to vector<588x300xf32>
      %mul3A_50 = arith.mulf %get3A_49, %mul3A : vector<588x300xf32>
      %get3A_51 = arith.constant 0 : index
      %get3A_52 = arith.constant 0 : index
      %get3A_53 = vector.load %arg15[%get3A_51, %get3A_52] : memref<588x300xf32, #tpu.memory_space<vmem>>, vector<588x300xf32>
      %mul3A_54 = vector.broadcast %get3A_43 : f32 to vector<588x300xf32>
      %mul3A_55 = arith.mulf %get3A_53, %mul3A_54 : vector<588x300xf32>
      %add3A = arith.addf %mul3A_50, %mul3A_55 : vector<588x300xf32>
      %get3A_56 = arith.constant 0 : index
      %get3A_57 = arith.constant 0 : index
      %get3A_58 = vector.load %arg16[%get3A_56, %get3A_57] : memref<588x300xf32, #tpu.memory_space<vmem>>, vector<588x300xf32>
      %mul3A_59 = vector.broadcast %get3A_46 : f32 to vector<588x300xf32>
      %mul3A_60 = arith.mulf %get3A_58, %mul3A_59 : vector<588x300xf32>
      %add3A_61 = arith.addf %add3A, %mul3A_60 : vector<588x300xf32>
      %mul3A_62 = arith.constant 0.115129255 : f32
      %mul3A_63 = vector.broadcast %mul3A_62 : f32 to vector<588x300xf32>
      %mul3A_64 = arith.mulf %add3A_61, %mul3A_63 : vector<588x300xf32>
      %exp3A = math.exp %mul3A_64 : vector<588x300xf32>
      %get3A_65 = arith.constant 0 : index
      %get3A_66 = arith.constant 0 : index
      %get3A_67 = arith.constant 0 : index
      %get3A_68 = arith.constant 0 : index
      %get3A_69 = vector.load %arg1[%get3A_65, %get3A_66, %get3A_67, %get3A_68] : memref<1x2x294x300xf32, #tpu.memory_space<vmem>>, vector<1x1x294x300xf32>
      %get3A_70 = vector.shape_cast %get3A_69 : vector<1x1x294x300xf32> to vector<294x300xf32>
      %get3A_71 = arith.constant 0 : index
      %get3A_72 = arith.constant 1 : index
      %get3A_73 = arith.constant 0 : index
      %get3A_74 = arith.constant 0 : index
      %get3A_75 = vector.load %arg1[%get3A_71, %get3A_72, %get3A_73, %get3A_74] : memref<1x2x294x300xf32, #tpu.memory_space<vmem>>, vector<1x1x294x300xf32>
      %get3A_76 = vector.shape_cast %get3A_75 : vector<1x1x294x300xf32> to vector<294x300xf32>
      %concatenate3A = tpu.concatenate %get3A_70, %get3A_76 in 1 : vector<294x300xf32>, vector<294x300xf32> -> vector<294x600xf32>
      %get3A_77 = arith.constant 0 : index
      %get3A_78 = arith.constant 0 : index
      %get3A_79 = vector.load %arg4[%get3A_77, %get3A_78] : memref<294x294xf32, #tpu.memory_space<vmem>>, vector<294x294xf32>
      %dot_general3A = arith.constant dense<0.000000e+00> : vector<294x600xf32>
      %dot_general3A_80 = tpu.matmul %get3A_79, %concatenate3A, %dot_general3A {dimension_numbers = #tpu.dot_dimension_numbers<[1], [0], [0], [1], [0, 0, 1, 1], [], []>, transpose_lhs_hint = false} : vector<294x294xf32>, vector<294x600xf32>, vector<294x600xf32> -> vector<294x600xf32>
      %get3A_81 = arith.constant 0 : index
      %get3A_82 = arith.constant 0 : index
      %get3A_83 = vector.load %arg5[%get3A_81, %get3A_82] : memref<294x294xf32, #tpu.memory_space<vmem>>, vector<294x294xf32>
      %dot_general3A_84 = arith.constant dense<0.000000e+00> : vector<294x600xf32>
      %dot_general3A_85 = tpu.matmul %get3A_83, %concatenate3A, %dot_general3A_84 {dimension_numbers = #tpu.dot_dimension_numbers<[1], [0], [0], [1], [0, 0, 1, 1], [], []>, transpose_lhs_hint = false} : vector<294x294xf32>, vector<294x600xf32>, vector<294x600xf32> -> vector<294x600xf32>
      %get3A_86 = arith.constant 0 : index
      %get3A_87 = arith.constant 0 : index
      %get3A_88 = vector.load %arg10[%get3A_86, %get3A_87] : memref<294x600xf32, #tpu.memory_space<vmem>>, vector<294x600xf32>
      %mul3A_89 = arith.mulf %dot_general3A_80, %get3A_88 : vector<294x600xf32>
      %get3A_90 = arith.constant 0 : index
      %get3A_91 = arith.constant 0 : index
      %get3A_92 = vector.load %arg11[%get3A_90, %get3A_91] : memref<294x600xf32, #tpu.memory_space<vmem>>, vector<294x600xf32>
      %mul3A_93 = arith.mulf %dot_general3A_85, %get3A_92 : vector<294x600xf32>
      %sub3A = arith.subf %mul3A_89, %mul3A_93 : vector<294x600xf32>
      %get3A_94 = arith.constant 0 : index
      %get3A_95 = arith.constant 0 : index
      %get3A_96 = vector.load %arg11[%get3A_94, %get3A_95] : memref<294x600xf32, #tpu.memory_space<vmem>>, vector<294x600xf32>
      %mul3A_97 = arith.mulf %dot_general3A_80, %get3A_96 : vector<294x600xf32>
      %get3A_98 = arith.constant 0 : index
      %get3A_99 = arith.constant 0 : index
      %get3A_100 = vector.load %arg10[%get3A_98, %get3A_99] : memref<294x600xf32, #tpu.memory_space<vmem>>, vector<294x600xf32>
      %mul3A_101 = arith.mulf %dot_general3A_85, %get3A_100 : vector<294x600xf32>
      %add3A_102 = arith.addf %mul3A_97, %mul3A_101 : vector<294x600xf32>
      %slice3A = vector.extract_strided_slice %sub3A {offsets = [0, 0], sizes = [294, 300], strides = [1, 1]} : vector<294x600xf32> to vector<294x300xf32>
      %slice3A_103 = vector.extract_strided_slice %sub3A {offsets = [0, 300], sizes = [294, 300], strides = [1, 1]} : vector<294x600xf32> to vector<294x300xf32>
      %concatenate3A_104 = tpu.concatenate %slice3A, %slice3A_103 in 0 : vector<294x300xf32>, vector<294x300xf32> -> vector<588x300xf32>
      %slice3A_105 = vector.extract_strided_slice %add3A_102 {offsets = [0, 0], sizes = [294, 300], strides = [1, 1]} : vector<294x600xf32> to vector<294x300xf32>
      %slice3A_106 = vector.extract_strided_slice %add3A_102 {offsets = [0, 300], sizes = [294, 300], strides = [1, 1]} : vector<294x600xf32> to vector<294x300xf32>
      %concatenate3A_107 = tpu.concatenate %slice3A_105, %slice3A_106 in 0 : vector<294x300xf32>, vector<294x300xf32> -> vector<588x300xf32>
      %get3A_108 = arith.constant 0 : index
      %get3A_109 = arith.constant 0 : index
      %get3A_110 = vector.load %arg6[%get3A_108, %get3A_109] : memref<300x300xf32, #tpu.memory_space<vmem>>, vector<300x300xf32>
      %get3A_111 = arith.constant 0 : index
      %get3A_112 = arith.constant 0 : index
      %get3A_113 = vector.load %arg7[%get3A_111, %get3A_112] : memref<300x300xf32, #tpu.memory_space<vmem>>, vector<300x300xf32>
      %dot_general3A_114 = arith.constant dense<0.000000e+00> : vector<588x300xf32>
      %dot_general3A_115 = tpu.matmul %concatenate3A_104, %get3A_110, %dot_general3A_114 {dimension_numbers = #tpu.dot_dimension_numbers<[1], [0], [0], [1], [0, 0, 1, 1], [], []>, transpose_lhs_hint = false} : vector<588x300xf32>, vector<300x300xf32>, vector<588x300xf32> -> vector<588x300xf32>
      %dot_general3A_116 = arith.constant dense<0.000000e+00> : vector<588x300xf32>
      %dot_general3A_117 = tpu.matmul %concatenate3A_107, %get3A_113, %dot_general3A_116 {dimension_numbers = #tpu.dot_dimension_numbers<[1], [0], [0], [1], [0, 0, 1, 1], [], []>, transpose_lhs_hint = false} : vector<588x300xf32>, vector<300x300xf32>, vector<588x300xf32> -> vector<588x300xf32>
      %sub3A_118 = arith.subf %dot_general3A_115, %dot_general3A_117 : vector<588x300xf32>
      %dot_general3A_119 = arith.constant dense<0.000000e+00> : vector<588x300xf32>
      %dot_general3A_120 = tpu.matmul %concatenate3A_104, %get3A_113, %dot_general3A_119 {dimension_numbers = #tpu.dot_dimension_numbers<[1], [0], [0], [1], [0, 0, 1, 1], [], []>, transpose_lhs_hint = false} : vector<588x300xf32>, vector<300x300xf32>, vector<588x300xf32> -> vector<588x300xf32>
      %dot_general3A_121 = arith.constant dense<0.000000e+00> : vector<588x300xf32>
      %dot_general3A_122 = tpu.matmul %concatenate3A_107, %get3A_110, %dot_general3A_121 {dimension_numbers = #tpu.dot_dimension_numbers<[1], [0], [0], [1], [0, 0, 1, 1], [], []>, transpose_lhs_hint = false} : vector<588x300xf32>, vector<300x300xf32>, vector<588x300xf32> -> vector<588x300xf32>
      %add3A_123 = arith.addf %dot_general3A_120, %dot_general3A_122 : vector<588x300xf32>
      %mul3A_124 = arith.mulf %sub3A_118, %exp3A : vector<588x300xf32>
      %mul3A_125 = arith.mulf %add3A_123, %exp3A : vector<588x300xf32>
      %get3A_126 = arith.constant 0 : index
      %get3A_127 = arith.constant 0 : index
      %get3A_128 = vector.load %arg6[%get3A_126, %get3A_127] : memref<300x300xf32, #tpu.memory_space<vmem>>, vector<300x300xf32>
      %get3A_129 = arith.constant 0 : index
      %get3A_130 = arith.constant 0 : index
      %get3A_131 = vector.load %arg7[%get3A_129, %get3A_130] : memref<300x300xf32, #tpu.memory_space<vmem>>, vector<300x300xf32>
      %dot_general3A_132 = arith.constant dense<0.000000e+00> : vector<588x300xf32>
      %dot_general3A_133 = tpu.matmul %mul3A_124, %get3A_128, %dot_general3A_132 {dimension_numbers = #tpu.dot_dimension_numbers<[1], [0], [0], [1], [0, 0, 1, 1], [], []>, transpose_lhs_hint = false} : vector<588x300xf32>, vector<300x300xf32>, vector<588x300xf32> -> vector<588x300xf32>
      %dot_general3A_134 = arith.constant dense<0.000000e+00> : vector<588x300xf32>
      %dot_general3A_135 = tpu.matmul %mul3A_125, %get3A_131, %dot_general3A_134 {dimension_numbers = #tpu.dot_dimension_numbers<[1], [0], [0], [1], [0, 0, 1, 1], [], []>, transpose_lhs_hint = false} : vector<588x300xf32>, vector<300x300xf32>, vector<588x300xf32> -> vector<588x300xf32>
      %add3A_136 = arith.addf %dot_general3A_133, %dot_general3A_135 : vector<588x300xf32>
      %dot_general3A_137 = arith.constant dense<0.000000e+00> : vector<588x300xf32>
      %dot_general3A_138 = tpu.matmul %mul3A_125, %get3A_128, %dot_general3A_137 {dimension_numbers = #tpu.dot_dimension_numbers<[1], [0], [0], [1], [0, 0, 1, 1], [], []>, transpose_lhs_hint = false} : vector<588x300xf32>, vector<300x300xf32>, vector<588x300xf32> -> vector<588x300xf32>
      %dot_general3A_139 = arith.constant dense<0.000000e+00> : vector<588x300xf32>
      %dot_general3A_140 = tpu.matmul %mul3A_124, %get3A_131, %dot_general3A_139 {dimension_numbers = #tpu.dot_dimension_numbers<[1], [0], [0], [1], [0, 0, 1, 1], [], []>, transpose_lhs_hint = false} : vector<588x300xf32>, vector<300x300xf32>, vector<588x300xf32> -> vector<588x300xf32>
      %sub3A_141 = arith.subf %dot_general3A_138, %dot_general3A_140 : vector<588x300xf32>
      %get3A_142 = arith.constant 0 : index
      %get3A_143 = arith.constant 0 : index
      %get3A_144 = vector.load %arg12[%get3A_142, %get3A_143] : memref<588x300xf32, #tpu.memory_space<vmem>>, vector<588x300xf32>
      %mul3A_145 = arith.mulf %add3A_136, %get3A_144 : vector<588x300xf32>
      %get3A_146 = arith.constant 0 : index
      %get3A_147 = arith.constant 0 : index
      %get3A_148 = vector.load %arg13[%get3A_146, %get3A_147] : memref<588x300xf32, #tpu.memory_space<vmem>>, vector<588x300xf32>
      %mul3A_149 = arith.mulf %sub3A_141, %get3A_148 : vector<588x300xf32>
      %add3A_150 = arith.addf %mul3A_145, %mul3A_149 : vector<588x300xf32>
      %get3A_151 = arith.constant 0 : index
      %get3A_152 = arith.constant 0 : index
      %get3A_153 = vector.load %arg12[%get3A_151, %get3A_152] : memref<588x300xf32, #tpu.memory_space<vmem>>, vector<588x300xf32>
      %mul3A_154 = arith.mulf %sub3A_141, %get3A_153 : vector<588x300xf32>
      %get3A_155 = arith.constant 0 : index
      %get3A_156 = arith.constant 0 : index
      %get3A_157 = vector.load %arg13[%get3A_155, %get3A_156] : memref<588x300xf32, #tpu.memory_space<vmem>>, vector<588x300xf32>
      %mul3A_158 = arith.mulf %add3A_136, %get3A_157 : vector<588x300xf32>
      %sub3A_159 = arith.subf %mul3A_154, %mul3A_158 : vector<588x300xf32>
      %slice3A_160 = vector.extract_strided_slice %add3A_150 {offsets = [0, 0], sizes = [294, 300], strides = [1, 1]} : vector<588x300xf32> to vector<294x300xf32>
      %slice3A_161 = vector.extract_strided_slice %add3A_150 {offsets = [294, 0], sizes = [294, 300], strides = [1, 1]} : vector<588x300xf32> to vector<294x300xf32>
      %concatenate3A_162 = tpu.concatenate %slice3A_160, %slice3A_161 in 1 : vector<294x300xf32>, vector<294x300xf32> -> vector<294x600xf32>
      %slice3A_163 = vector.extract_strided_slice %sub3A_159 {offsets = [0, 0], sizes = [294, 300], strides = [1, 1]} : vector<588x300xf32> to vector<294x300xf32>
      %slice3A_164 = vector.extract_strided_slice %sub3A_159 {offsets = [294, 0], sizes = [294, 300], strides = [1, 1]} : vector<588x300xf32> to vector<294x300xf32>
      %concatenate3A_165 = tpu.concatenate %slice3A_163, %slice3A_164 in 1 : vector<294x300xf32>, vector<294x300xf32> -> vector<294x600xf32>
      %get3A_166 = arith.constant 0 : index
      %get3A_167 = arith.constant 0 : index
      %get3A_168 = vector.load %arg4[%get3A_166, %get3A_167] : memref<294x294xf32, #tpu.memory_space<vmem>>, vector<294x294xf32>
      %dot_general3A_169 = arith.constant dense<0.000000e+00> : vector<294x600xf32>
      %dot_general3A_170 = tpu.matmul %get3A_168, %concatenate3A_162, %dot_general3A_169 {dimension_numbers = #tpu.dot_dimension_numbers<[1], [0], [0], [1], [0, 0, 1, 1], [], []>, transpose_lhs_hint = false} : vector<294x294xf32>, vector<294x600xf32>, vector<294x600xf32> -> vector<294x600xf32>
      %get3A_171 = arith.constant 0 : index
      %get3A_172 = arith.constant 0 : index
      %get3A_173 = vector.load %arg5[%get3A_171, %get3A_172] : memref<294x294xf32, #tpu.memory_space<vmem>>, vector<294x294xf32>
      %dot_general3A_174 = arith.constant dense<0.000000e+00> : vector<294x600xf32>
      %dot_general3A_175 = tpu.matmul %get3A_173, %concatenate3A_165, %dot_general3A_174 {dimension_numbers = #tpu.dot_dimension_numbers<[1], [0], [0], [1], [0, 0, 1, 1], [], []>, transpose_lhs_hint = false} : vector<294x294xf32>, vector<294x600xf32>, vector<294x600xf32> -> vector<294x600xf32>
      %add3A_176 = arith.addf %dot_general3A_170, %dot_general3A_175 : vector<294x600xf32>
      %mul3A_177 = arith.constant 1.13378683E-5 : f32
      %mul3A_178 = vector.broadcast %mul3A_177 : f32 to vector<294x600xf32>
      %mul3A_179 = arith.mulf %add3A_176, %mul3A_178 : vector<294x600xf32>
      %slice3A_180 = vector.extract_strided_slice %mul3A_179 {offsets = [0, 0], sizes = [294, 300], strides = [1, 1]} : vector<294x600xf32> to vector<294x300xf32>
      %swap3A = arith.constant 0 : index
      %swap3A_181 = arith.constant 0 : index
      %swap3A_182 = arith.constant 0 : index
      %swap3A_183 = arith.constant 0 : index
      %swap3A_184 = vector.load %arg21[%swap3A, %swap3A_181, %swap3A_182, %swap3A_183] : memref<1x2x294x300xf32, #tpu.memory_space<vmem>>, vector<1x1x294x300xf32>
      %swap3A_185 = vector.shape_cast %swap3A_184 : vector<1x1x294x300xf32> to vector<294x300xf32>
      %swap3A_186 = vector.shape_cast %slice3A_180 : vector<294x300xf32> to vector<1x1x294x300xf32>
      tpu.vector_store %arg21[%swap3A, %swap3A_181, %swap3A_182, %swap3A_183], %swap3A_186 {strides = array<i32>} : memref<1x2x294x300xf32, #tpu.memory_space<vmem>>, vector<1x1x294x300xf32>,
      %slice3A_187 = vector.extract_strided_slice %mul3A_179 {offsets = [0, 300], sizes = [294, 300], strides = [1, 1]} : vector<294x600xf32> to vector<294x300xf32>
      %swap3A_188 = arith.constant 0 : index
      %swap3A_189 = arith.constant 1 : index
      %swap3A_190 = arith.constant 0 : index
      %swap3A_191 = arith.constant 0 : index
      %swap3A_192 = vector.load %arg21[%swap3A_188, %swap3A_189, %swap3A_190, %swap3A_191] : memref<1x2x294x300xf32, #tpu.memory_space<vmem>>, vector<1x1x294x300xf32>
      %swap3A_193 = vector.shape_cast %swap3A_192 : vector<1x1x294x300xf32> to vector<294x300xf32>
      %swap3A_194 = vector.shape_cast %slice3A_187 : vector<294x300xf32> to vector<1x1x294x300xf32>
      tpu.vector_store %arg21[%swap3A_188, %swap3A_189, %swap3A_190, %swap3A_191], %swap3A_194 {strides = array<i32>} : memref<1x2x294x300xf32, #tpu.memory_space<vmem>>, vector<1x1x294x300xf32>,
    } else {
    }
    %eq3A_3 = arith.constant 1 : i32
    %eq3A_4 = arith.cmpi eq, %get3A_0, %eq3A_3 : i32
    %convert_element_type3A_5 = arith.extui %eq3A_4 : i1 to i32
    %cond3A_6 = arith.constant 0 : i32
    %cond3A_7 = arith.cmpi ne, %convert_element_type3A_5, %cond3A_6 : i32
    scf.if %cond3A_7 {
      %get3A_38 = arith.index_cast %arg0 : i32 to index
      %get3A_39 = arith.constant 3 : index
      %get3A_40 = memref.load %arg2[%get3A_38, %get3A_39] : memref<32x17xf32, #tpu.memory_space<smem>>
      %get3A_41 = arith.constant 0 : index
      %get3A_42 = arith.constant 0 : index
      %get3A_43 = arith.constant 0 : index
      %get3A_44 = arith.constant 0 : index
      %get3A_45 = vector.load %arg1[%get3A_41, %get3A_42, %get3A_43, %get3A_44] : memref<1x2x294x300xf32, #tpu.memory_space<vmem>>, vector<1x1x294x300xf32>
      %get3A_46 = vector.shape_cast %get3A_45 : vector<1x1x294x300xf32> to vector<294x300xf32>
      %mul3A = vector.broadcast %get3A_40 : f32 to vector<294x300xf32>
      %mul3A_47 = arith.mulf %mul3A, %get3A_46 : vector<294x300xf32>
      %tanh3A = math.tanh %mul3A_47 : vector<294x300xf32>
      %swap3A = arith.constant 0 : index
      %swap3A_48 = arith.constant 0 : index
      %swap3A_49 = arith.constant 0 : index
      %swap3A_50 = arith.constant 0 : index
      %swap3A_51 = vector.load %arg21[%swap3A, %swap3A_48, %swap3A_49, %swap3A_50] : memref<1x2x294x300xf32, #tpu.memory_space<vmem>>, vector<1x1x294x300xf32>
      %swap3A_52 = vector.shape_cast %swap3A_51 : vector<1x1x294x300xf32> to vector<294x300xf32>
      %swap3A_53 = vector.shape_cast %tanh3A : vector<294x300xf32> to vector<1x1x294x300xf32>
      tpu.vector_store %arg21[%swap3A, %swap3A_48, %swap3A_49, %swap3A_50], %swap3A_53 {strides = array<i32>} : memref<1x2x294x300xf32, #tpu.memory_space<vmem>>, vector<1x1x294x300xf32>,
      %get3A_54 = arith.constant 0 : index
      %get3A_55 = arith.constant 1 : index
      %get3A_56 = arith.constant 0 : index
      %get3A_57 = arith.constant 0 : index
      %get3A_58 = vector.load %arg1[%get3A_54, %get3A_55, %get3A_56, %get3A_57] : memref<1x2x294x300xf32, #tpu.memory_space<vmem>>, vector<1x1x294x300xf32>
      %get3A_59 = vector.shape_cast %get3A_58 : vector<1x1x294x300xf32> to vector<294x300xf32>
      %mul3A_60 = vector.broadcast %get3A_40 : f32 to vector<294x300xf32>
      %mul3A_61 = arith.mulf %mul3A_60, %get3A_59 : vector<294x300xf32>
      %tanh3A_62 = math.tanh %mul3A_61 : vector<294x300xf32>
      %swap3A_63 = arith.constant 0 : index
      %swap3A_64 = arith.constant 1 : index
      %swap3A_65 = arith.constant 0 : index
      %swap3A_66 = arith.constant 0 : index
      %swap3A_67 = vector.load %arg21[%swap3A_63, %swap3A_64, %swap3A_65, %swap3A_66] : memref<1x2x294x300xf32, #tpu.memory_space<vmem>>, vector<1x1x294x300xf32>
      %swap3A_68 = vector.shape_cast %swap3A_67 : vector<1x1x294x300xf32> to vector<294x300xf32>
      %swap3A_69 = vector.shape_cast %tanh3A_62 : vector<294x300xf32> to vector<1x1x294x300xf32>
      tpu.vector_store %arg21[%swap3A_63, %swap3A_64, %swap3A_65, %swap3A_66], %swap3A_69 {strides = array<i32>} : memref<1x2x294x300xf32, #tpu.memory_space<vmem>>, vector<1x1x294x300xf32>,
    } else {
    }
    %eq3A_8 = arith.constant 2 : i32
    %eq3A_9 = arith.cmpi eq, %get3A_0, %eq3A_8 : i32
    %convert_element_type3A_10 = arith.extui %eq3A_9 : i1 to i32
    %cond3A_11 = arith.constant 0 : i32
    %cond3A_12 = arith.cmpi ne, %convert_element_type3A_10, %cond3A_11 : i32
    scf.if %cond3A_12 {
      %get3A_38 = arith.constant 0 : index
      %get3A_39 = arith.constant 0 : index
      %get3A_40 = arith.constant 0 : index
      %get3A_41 = arith.constant 0 : index
      %get3A_42 = vector.load %arg1[%get3A_38, %get3A_39, %get3A_40, %get3A_41] : memref<1x2x294x300xf32, #tpu.memory_space<vmem>>, vector<1x1x294x300xf32>
      %get3A_43 = vector.shape_cast %get3A_42 : vector<1x1x294x300xf32> to vector<294x300xf32>
      %get3A_44 = arith.constant 0 : index
      %get3A_45 = arith.constant 1 : index
      %get3A_46 = arith.constant 0 : index
      %get3A_47 = arith.constant 0 : index
      %get3A_48 = vector.load %arg1[%get3A_44, %get3A_45, %get3A_46, %get3A_47] : memref<1x2x294x300xf32, #tpu.memory_space<vmem>>, vector<1x1x294x300xf32>
      %get3A_49 = vector.shape_cast %get3A_48 : vector<1x1x294x300xf32> to vector<294x300xf32>
      %concatenate3A = tpu.concatenate %get3A_43, %get3A_49 in 1 : vector<294x300xf32>, vector<294x300xf32> -> vector<294x600xf32>
      %get3A_50 = arith.constant 0 : index
      %get3A_51 = arith.constant 0 : index
      %get3A_52 = vector.load %arg4[%get3A_50, %get3A_51] : memref<294x294xf32, #tpu.memory_space<vmem>>, vector<294x294xf32>
      %dot_general3A = arith.constant dense<0.000000e+00> : vector<294x600xf32>
      %dot_general3A_53 = tpu.matmul %get3A_52, %concatenate3A, %dot_general3A {dimension_numbers = #tpu.dot_dimension_numbers<[1], [0], [0], [1], [0, 0, 1, 1], [], []>, transpose_lhs_hint = false} : vector<294x294xf32>, vector<294x600xf32>, vector<294x600xf32> -> vector<294x600xf32>
      %get3A_54 = arith.constant 0 : index
      %get3A_55 = arith.constant 0 : index
      %get3A_56 = vector.load %arg5[%get3A_54, %get3A_55] : memref<294x294xf32, #tpu.memory_space<vmem>>, vector<294x294xf32>
      %dot_general3A_57 = arith.constant dense<0.000000e+00> : vector<294x600xf32>
      %dot_general3A_58 = tpu.matmul %get3A_56, %concatenate3A, %dot_general3A_57 {dimension_numbers = #tpu.dot_dimension_numbers<[1], [0], [0], [1], [0, 0, 1, 1], [], []>, transpose_lhs_hint = false} : vector<294x294xf32>, vector<294x600xf32>, vector<294x600xf32> -> vector<294x600xf32>
      %get3A_59 = arith.constant 0 : index
      %get3A_60 = arith.constant 0 : index
      %get3A_61 = vector.load %arg10[%get3A_59, %get3A_60] : memref<294x600xf32, #tpu.memory_space<vmem>>, vector<294x600xf32>
      %mul3A = arith.mulf %dot_general3A_53, %get3A_61 : vector<294x600xf32>
      %get3A_62 = arith.constant 0 : index
      %get3A_63 = arith.constant 0 : index
      %get3A_64 = vector.load %arg11[%get3A_62, %get3A_63] : memref<294x600xf32, #tpu.memory_space<vmem>>, vector<294x600xf32>
      %mul3A_65 = arith.mulf %dot_general3A_58, %get3A_64 : vector<294x600xf32>
      %sub3A = arith.subf %mul3A, %mul3A_65 : vector<294x600xf32>
      %get3A_66 = arith.constant 0 : index
      %get3A_67 = arith.constant 0 : index
      %get3A_68 = vector.load %arg11[%get3A_66, %get3A_67] : memref<294x600xf32, #tpu.memory_space<vmem>>, vector<294x600xf32>
      %mul3A_69 = arith.mulf %dot_general3A_53, %get3A_68 : vector<294x600xf32>
      %get3A_70 = arith.constant 0 : index
      %get3A_71 = arith.constant 0 : index
      %get3A_72 = vector.load %arg10[%get3A_70, %get3A_71] : memref<294x600xf32, #tpu.memory_space<vmem>>, vector<294x600xf32>
      %mul3A_73 = arith.mulf %dot_general3A_58, %get3A_72 : vector<294x600xf32>
      %add3A = arith.addf %mul3A_69, %mul3A_73 : vector<294x600xf32>
      %slice3A = vector.extract_strided_slice %sub3A {offsets = [0, 0], sizes = [294, 300], strides = [1, 1]} : vector<294x600xf32> to vector<294x300xf32>
      %slice3A_74 = vector.extract_strided_slice %sub3A {offsets = [0, 300], sizes = [294, 300], strides = [1, 1]} : vector<294x600xf32> to vector<294x300xf32>
      %concatenate3A_75 = tpu.concatenate %slice3A, %slice3A_74 in 0 : vector<294x300xf32>, vector<294x300xf32> -> vector<588x300xf32>
      %slice3A_76 = vector.extract_strided_slice %add3A {offsets = [0, 0], sizes = [294, 300], strides = [1, 1]} : vector<294x600xf32> to vector<294x300xf32>
      %slice3A_77 = vector.extract_strided_slice %add3A {offsets = [0, 300], sizes = [294, 300], strides = [1, 1]} : vector<294x600xf32> to vector<294x300xf32>
      %concatenate3A_78 = tpu.concatenate %slice3A_76, %slice3A_77 in 0 : vector<294x300xf32>, vector<294x300xf32> -> vector<588x300xf32>
      %get3A_79 = arith.constant 0 : index
      %get3A_80 = arith.constant 0 : index
      %get3A_81 = vector.load %arg6[%get3A_79, %get3A_80] : memref<300x300xf32, #tpu.memory_space<vmem>>, vector<300x300xf32>
      %get3A_82 = arith.constant 0 : index
      %get3A_83 = arith.constant 0 : index
      %get3A_84 = vector.load %arg7[%get3A_82, %get3A_83] : memref<300x300xf32, #tpu.memory_space<vmem>>, vector<300x300xf32>
      %dot_general3A_85 = arith.constant dense<0.000000e+00> : vector<588x300xf32>
      %dot_general3A_86 = tpu.matmul %concatenate3A_75, %get3A_81, %dot_general3A_85 {dimension_numbers = #tpu.dot_dimension_numbers<[1], [0], [0], [1], [0, 0, 1, 1], [], []>, transpose_lhs_hint = false} : vector<588x300xf32>, vector<300x300xf32>, vector<588x300xf32> -> vector<588x300xf32>
      %dot_general3A_87 = arith.constant dense<0.000000e+00> : vector<588x300xf32>
      %dot_general3A_88 = tpu.matmul %concatenate3A_78, %get3A_84, %dot_general3A_87 {dimension_numbers = #tpu.dot_dimension_numbers<[1], [0], [0], [1], [0, 0, 1, 1], [], []>, transpose_lhs_hint = false} : vector<588x300xf32>, vector<300x300xf32>, vector<588x300xf32> -> vector<588x300xf32>
      %sub3A_89 = arith.subf %dot_general3A_86, %dot_general3A_88 : vector<588x300xf32>
      %dot_general3A_90 = arith.constant dense<0.000000e+00> : vector<588x300xf32>
      %dot_general3A_91 = tpu.matmul %concatenate3A_75, %get3A_84, %dot_general3A_90 {dimension_numbers = #tpu.dot_dimension_numbers<[1], [0], [0], [1], [0, 0, 1, 1], [], []>, transpose_lhs_hint = false} : vector<588x300xf32>, vector<300x300xf32>, vector<588x300xf32> -> vector<588x300xf32>
      %dot_general3A_92 = arith.constant dense<0.000000e+00> : vector<588x300xf32>
      %dot_general3A_93 = tpu.matmul %concatenate3A_78, %get3A_81, %dot_general3A_92 {dimension_numbers = #tpu.dot_dimension_numbers<[1], [0], [0], [1], [0, 0, 1, 1], [], []>, transpose_lhs_hint = false} : vector<588x300xf32>, vector<300x300xf32>, vector<588x300xf32> -> vector<588x300xf32>
      %add3A_94 = arith.addf %dot_general3A_91, %dot_general3A_93 : vector<588x300xf32>
      %broadcast_in_dim3A = arith.constant 0.000000e+00 : f32
      %broadcast_in_dim3A_95 = vector.broadcast %broadcast_in_dim3A : f32 to vector<588x300xf32>
      %broadcast_in_dim3A_96 = arith.constant 0.000000e+00 : f32
      %broadcast_in_dim3A_97 = vector.broadcast %broadcast_in_dim3A_96 : f32 to vector<588x300xf32>
      %get3A_98 = arith.constant 0 : index
      %get3A_99 = arith.constant 0 : index
      %get3A_100 = vector.load %arg14[%get3A_98, %get3A_99] : memref<588x300xf32, #tpu.memory_space<vmem>>, vector<588x300xf32>
      %mul3A_101 = arith.mulf %sub3A_89, %get3A_100 : vector<588x300xf32>
      %mul3A_102 = arith.mulf %add3A_94, %get3A_100 : vector<588x300xf32>
      %get3A_103 = arith.index_cast %arg0 : i32 to index
      %get3A_104 = arith.constant 4 : index
      %get3A_105 = memref.load %arg2[%get3A_103, %get3A_104] : memref<32x17xf32, #tpu.memory_space<smem>>
      %get3A_106 = arith.index_cast %arg0 : i32 to index
      %get3A_107 = arith.constant 5 : index
      %get3A_108 = memref.load %arg2[%get3A_106, %get3A_107] : memref<32x17xf32, #tpu.memory_space<smem>>
      %slice3A_109 = vector.extract_strided_slice %mul3A_101 {offsets = [0, 0], sizes = [294, 300], strides = [1, 1]} : vector<588x300xf32> to vector<294x300xf32>
      %slice3A_110 = vector.extract_strided_slice %mul3A_102 {offsets = [0, 0], sizes = [294, 300], strides = [1, 1]} : vector<588x300xf32> to vector<294x300xf32>
      %mul3A_111 = arith.mulf %slice3A_109, %slice3A_109 : vector<294x300xf32>
      %mul3A_112 = arith.mulf %slice3A_110, %slice3A_110 : vector<294x300xf32>
      %add3A_113 = arith.addf %mul3A_111, %mul3A_112 : vector<294x300xf32>
      %reduce_sum3A = vector.shape_cast %add3A_113 : vector<294x300xf32> to vector<1x294x300xf32>
      %reduce_sum3A_114 = arith.constant dense<0.000000e+00> : vector<1xf32>
      %reduce_sum3A_115 = vector.multi_reduction <add>, %reduce_sum3A, %reduce_sum3A_114 [1, 2] : vector<1x294x300xf32> to vector<1xf32>
      %reduce_sum3A_116 = vector.shape_cast %reduce_sum3A_115 : vector<1xf32> to vector<1x1x1xf32>
      %reduce_sum3A_117 = vector.extract %reduce_sum3A_116[0, 0, 0] : f32 from vector<1x1x1xf32>
      %mul3A_118 = arith.constant 1.28547256E-10 : f32
      %mul3A_119 = arith.mulf %reduce_sum3A_117, %mul3A_118 : f32
      %broadcast_in_dim3A_120 = vector.broadcast %mul3A_119 : f32 to vector<294x300xf32>
      %add3A_121 = arith.constant 9.99999993E-9 : f32
      %add3A_122 = vector.broadcast %add3A_121 : f32 to vector<294x300xf32>
      %add3A_123 = arith.addf %broadcast_in_dim3A_120, %add3A_122 : vector<294x300xf32>
      %sqrt3A = math.sqrt %add3A_123 : vector<294x300xf32>
      %add3A_124 = arith.constant 9.99999993E-9 : f32
      %add3A_125 = vector.broadcast %add3A_124 : f32 to vector<294x300xf32>
      %add3A_126 = arith.addf %sqrt3A, %add3A_125 : vector<294x300xf32>
      %log3A = math.log %add3A_126 : vector<294x300xf32>
      %mul3A_127 = arith.constant 8.68588924 : f32
      %mul3A_128 = vector.broadcast %mul3A_127 : f32 to vector<294x300xf32>
      %mul3A_129 = arith.mulf %log3A, %mul3A_128 : vector<294x300xf32>
      %gt3A = vector.broadcast %get3A_105 : f32 to vector<294x300xf32>
      %gt3A_130 = arith.cmpf ogt, %mul3A_129, %gt3A : vector<294x300xf32>
      %sub3A_131 = vector.broadcast %get3A_105 : f32 to vector<294x300xf32>
      %sub3A_132 = arith.subf %sub3A_131, %mul3A_129 : vector<294x300xf32>
      %div3A = arith.constant 1.000000e+00 : f32
      %div3A_133 = arith.divf %div3A, %get3A_108 : f32
      %sub3A_134 = arith.constant 1.000000e+00 : f32
      %sub3A_135 = arith.subf %sub3A_134, %div3A_133 : f32
      %mul3A_136 = vector.broadcast %sub3A_135 : f32 to vector<294x300xf32>
      %mul3A_137 = arith.mulf %sub3A_132, %mul3A_136 : vector<294x300xf32>
      %jit3A = arith.constant 0.000000e+00 : f32
      %broadcast_in_dim3A_138 = vector.broadcast %jit3A : f32 to vector<294x300xf32>
      %select_n3A = arith.select %gt3A_130, %mul3A_137, %broadcast_in_dim3A_138 : vector<294x300xi1>, vector<294x300xf32>
      %mul3A_139 = arith.constant 0.115129255 : f32
      %mul3A_140 = vector.broadcast %mul3A_139 : f32 to vector<294x300xf32>
      %mul3A_141 = arith.mulf %select_n3A, %mul3A_140 : vector<294x300xf32>
      %exp3A = math.exp %mul3A_141 : vector<294x300xf32>
      %slice3A_142 = vector.extract_strided_slice %mul3A_101 {offsets = [294, 0], sizes = [294, 300], strides = [1, 1]} : vector<588x300xf32> to vector<294x300xf32>
      %slice3A_143 = vector.extract_strided_slice %mul3A_102 {offsets = [294, 0], sizes = [294, 300], strides = [1, 1]} : vector<588x300xf32> to vector<294x300xf32>
      %mul3A_144 = arith.mulf %slice3A_142, %slice3A_142 : vector<294x300xf32>
      %mul3A_145 = arith.mulf %slice3A_143, %slice3A_143 : vector<294x300xf32>
      %add3A_146 = arith.addf %mul3A_144, %mul3A_145 : vector<294x300xf32>
      %reduce_sum3A_147 = vector.shape_cast %add3A_146 : vector<294x300xf32> to vector<1x294x300xf32>
      %reduce_sum3A_148 = arith.constant dense<0.000000e+00> : vector<1xf32>
      %reduce_sum3A_149 = vector.multi_reduction <add>, %reduce_sum3A_147, %reduce_sum3A_148 [1, 2] : vector<1x294x300xf32> to vector<1xf32>
      %reduce_sum3A_150 = vector.shape_cast %reduce_sum3A_149 : vector<1xf32> to vector<1x1x1xf32>
      %reduce_sum3A_151 = vector.extract %reduce_sum3A_150[0, 0, 0] : f32 from vector<1x1x1xf32>
      %mul3A_152 = arith.constant 1.28547256E-10 : f32
      %mul3A_153 = arith.mulf %reduce_sum3A_151, %mul3A_152 : f32
      %broadcast_in_dim3A_154 = vector.broadcast %mul3A_153 : f32 to vector<294x300xf32>
      %add3A_155 = arith.constant 9.99999993E-9 : f32
      %add3A_156 = vector.broadcast %add3A_155 : f32 to vector<294x300xf32>
      %add3A_157 = arith.addf %broadcast_in_dim3A_154, %add3A_156 : vector<294x300xf32>
      %sqrt3A_158 = math.sqrt %add3A_157 : vector<294x300xf32>
      %add3A_159 = arith.constant 9.99999993E-9 : f32
      %add3A_160 = vector.broadcast %add3A_159 : f32 to vector<294x300xf32>
      %add3A_161 = arith.addf %sqrt3A_158, %add3A_160 : vector<294x300xf32>
      %log3A_162 = math.log %add3A_161 : vector<294x300xf32>
      %mul3A_163 = arith.constant 8.68588924 : f32
      %mul3A_164 = vector.broadcast %mul3A_163 : f32 to vector<294x300xf32>
      %mul3A_165 = arith.mulf %log3A_162, %mul3A_164 : vector<294x300xf32>
      %gt3A_166 = vector.broadcast %get3A_105 : f32 to vector<294x300xf32>
      %gt3A_167 = arith.cmpf ogt, %mul3A_165, %gt3A_166 : vector<294x300xf32>
      %sub3A_168 = vector.broadcast %get3A_105 : f32 to vector<294x300xf32>
      %sub3A_169 = arith.subf %sub3A_168, %mul3A_165 : vector<294x300xf32>
      %div3A_170 = arith.constant 1.000000e+00 : f32
      %div3A_171 = arith.divf %div3A_170, %get3A_108 : f32
      %sub3A_172 = arith.constant 1.000000e+00 : f32
      %sub3A_173 = arith.subf %sub3A_172, %div3A_171 : f32
      %mul3A_174 = vector.broadcast %sub3A_173 : f32 to vector<294x300xf32>
      %mul3A_175 = arith.mulf %sub3A_169, %mul3A_174 : vector<294x300xf32>
      %jit3A_176 = arith.constant 0.000000e+00 : f32
      %broadcast_in_dim3A_177 = vector.broadcast %jit3A_176 : f32 to vector<294x300xf32>
      %select_n3A_178 = arith.select %gt3A_167, %mul3A_175, %broadcast_in_dim3A_177 : vector<294x300xi1>, vector<294x300xf32>
      %mul3A_179 = arith.constant 0.115129255 : f32
      %mul3A_180 = vector.broadcast %mul3A_179 : f32 to vector<294x300xf32>
      %mul3A_181 = arith.mulf %select_n3A_178, %mul3A_180 : vector<294x300xf32>
      %exp3A_182 = math.exp %mul3A_181 : vector<294x300xf32>
      %concatenate3A_183 = tpu.concatenate %exp3A, %exp3A_182 in 0 : vector<294x300xf32>, vector<294x300xf32> -> vector<588x300xf32>
      %mul3A_184 = arith.mulf %mul3A_101, %concatenate3A_183 : vector<588x300xf32>
      %add3A_185 = arith.addf %broadcast_in_dim3A_95, %mul3A_184 : vector<588x300xf32>
      %mul3A_186 = arith.mulf %mul3A_102, %concatenate3A_183 : vector<588x300xf32>
      %add3A_187 = arith.addf %broadcast_in_dim3A_97, %mul3A_186 : vector<588x300xf32>
      %get3A_188 = arith.constant 0 : index
      %get3A_189 = arith.constant 0 : index
      %get3A_190 = vector.load %arg15[%get3A_188, %get3A_189] : memref<588x300xf32, #tpu.memory_space<vmem>>, vector<588x300xf32>
      %mul3A_191 = arith.mulf %sub3A_89, %get3A_190 : vector<588x300xf32>
      %mul3A_192 = arith.mulf %add3A_94, %get3A_190 : vector<588x300xf32>
      %get3A_193 = arith.index_cast %arg0 : i32 to index
      %get3A_194 = arith.constant 6 : index
      %get3A_195 = memref.load %arg2[%get3A_193, %get3A_194] : memref<32x17xf32, #tpu.memory_space<smem>>
      %get3A_196 = arith.index_cast %arg0 : i32 to index
      %get3A_197 = arith.constant 7 : index
      %get3A_198 = memref.load %arg2[%get3A_196, %get3A_197] : memref<32x17xf32, #tpu.memory_space<smem>>
      %slice3A_199 = vector.extract_strided_slice %mul3A_191 {offsets = [0, 0], sizes = [294, 300], strides = [1, 1]} : vector<588x300xf32> to vector<294x300xf32>
      %slice3A_200 = vector.extract_strided_slice %mul3A_192 {offsets = [0, 0], sizes = [294, 300], strides = [1, 1]} : vector<588x300xf32> to vector<294x300xf32>
      %mul3A_201 = arith.mulf %slice3A_199, %slice3A_199 : vector<294x300xf32>
      %mul3A_202 = arith.mulf %slice3A_200, %slice3A_200 : vector<294x300xf32>
      %add3A_203 = arith.addf %mul3A_201, %mul3A_202 : vector<294x300xf32>
      %reduce_sum3A_204 = vector.shape_cast %add3A_203 : vector<294x300xf32> to vector<1x294x300xf32>
      %reduce_sum3A_205 = arith.constant dense<0.000000e+00> : vector<1xf32>
      %reduce_sum3A_206 = vector.multi_reduction <add>, %reduce_sum3A_204, %reduce_sum3A_205 [1, 2] : vector<1x294x300xf32> to vector<1xf32>
      %reduce_sum3A_207 = vector.shape_cast %reduce_sum3A_206 : vector<1xf32> to vector<1x1x1xf32>
      %reduce_sum3A_208 = vector.extract %reduce_sum3A_207[0, 0, 0] : f32 from vector<1x1x1xf32>
      %mul3A_209 = arith.constant 1.28547256E-10 : f32
      %mul3A_210 = arith.mulf %reduce_sum3A_208, %mul3A_209 : f32
      %broadcast_in_dim3A_211 = vector.broadcast %mul3A_210 : f32 to vector<294x300xf32>
      %add3A_212 = arith.constant 9.99999993E-9 : f32
      %add3A_213 = vector.broadcast %add3A_212 : f32 to vector<294x300xf32>
      %add3A_214 = arith.addf %broadcast_in_dim3A_211, %add3A_213 : vector<294x300xf32>
      %sqrt3A_215 = math.sqrt %add3A_214 : vector<294x300xf32>
      %add3A_216 = arith.constant 9.99999993E-9 : f32
      %add3A_217 = vector.broadcast %add3A_216 : f32 to vector<294x300xf32>
      %add3A_218 = arith.addf %sqrt3A_215, %add3A_217 : vector<294x300xf32>
      %log3A_219 = math.log %add3A_218 : vector<294x300xf32>
      %mul3A_220 = arith.constant 8.68588924 : f32
      %mul3A_221 = vector.broadcast %mul3A_220 : f32 to vector<294x300xf32>
      %mul3A_222 = arith.mulf %log3A_219, %mul3A_221 : vector<294x300xf32>
      %gt3A_223 = vector.broadcast %get3A_195 : f32 to vector<294x300xf32>
      %gt3A_224 = arith.cmpf ogt, %mul3A_222, %gt3A_223 : vector<294x300xf32>
      %sub3A_225 = vector.broadcast %get3A_195 : f32 to vector<294x300xf32>
      %sub3A_226 = arith.subf %sub3A_225, %mul3A_222 : vector<294x300xf32>
      %div3A_227 = arith.constant 1.000000e+00 : f32
      %div3A_228 = arith.divf %div3A_227, %get3A_198 : f32
      %sub3A_229 = arith.constant 1.000000e+00 : f32
      %sub3A_230 = arith.subf %sub3A_229, %div3A_228 : f32
      %mul3A_231 = vector.broadcast %sub3A_230 : f32 to vector<294x300xf32>
      %mul3A_232 = arith.mulf %sub3A_226, %mul3A_231 : vector<294x300xf32>
      %jit3A_233 = arith.constant 0.000000e+00 : f32
      %broadcast_in_dim3A_234 = vector.broadcast %jit3A_233 : f32 to vector<294x300xf32>
      %select_n3A_235 = arith.select %gt3A_224, %mul3A_232, %broadcast_in_dim3A_234 : vector<294x300xi1>, vector<294x300xf32>
      %mul3A_236 = arith.constant 0.115129255 : f32
      %mul3A_237 = vector.broadcast %mul3A_236 : f32 to vector<294x300xf32>
      %mul3A_238 = arith.mulf %select_n3A_235, %mul3A_237 : vector<294x300xf32>
      %exp3A_239 = math.exp %mul3A_238 : vector<294x300xf32>
      %slice3A_240 = vector.extract_strided_slice %mul3A_191 {offsets = [294, 0], sizes = [294, 300], strides = [1, 1]} : vector<588x300xf32> to vector<294x300xf32>
      %slice3A_241 = vector.extract_strided_slice %mul3A_192 {offsets = [294, 0], sizes = [294, 300], strides = [1, 1]} : vector<588x300xf32> to vector<294x300xf32>
      %mul3A_242 = arith.mulf %slice3A_240, %slice3A_240 : vector<294x300xf32>
      %mul3A_243 = arith.mulf %slice3A_241, %slice3A_241 : vector<294x300xf32>
      %add3A_244 = arith.addf %mul3A_242, %mul3A_243 : vector<294x300xf32>
      %reduce_sum3A_245 = vector.shape_cast %add3A_244 : vector<294x300xf32> to vector<1x294x300xf32>
      %reduce_sum3A_246 = arith.constant dense<0.000000e+00> : vector<1xf32>
      %reduce_sum3A_247 = vector.multi_reduction <add>, %reduce_sum3A_245, %reduce_sum3A_246 [1, 2] : vector<1x294x300xf32> to vector<1xf32>
      %reduce_sum3A_248 = vector.shape_cast %reduce_sum3A_247 : vector<1xf32> to vector<1x1x1xf32>
      %reduce_sum3A_249 = vector.extract %reduce_sum3A_248[0, 0, 0] : f32 from vector<1x1x1xf32>
      %mul3A_250 = arith.constant 1.28547256E-10 : f32
      %mul3A_251 = arith.mulf %reduce_sum3A_249, %mul3A_250 : f32
      %broadcast_in_dim3A_252 = vector.broadcast %mul3A_251 : f32 to vector<294x300xf32>
      %add3A_253 = arith.constant 9.99999993E-9 : f32
      %add3A_254 = vector.broadcast %add3A_253 : f32 to vector<294x300xf32>
      %add3A_255 = arith.addf %broadcast_in_dim3A_252, %add3A_254 : vector<294x300xf32>
      %sqrt3A_256 = math.sqrt %add3A_255 : vector<294x300xf32>
      %add3A_257 = arith.constant 9.99999993E-9 : f32
      %add3A_258 = vector.broadcast %add3A_257 : f32 to vector<294x300xf32>
      %add3A_259 = arith.addf %sqrt3A_256, %add3A_258 : vector<294x300xf32>
      %log3A_260 = math.log %add3A_259 : vector<294x300xf32>
      %mul3A_261 = arith.constant 8.68588924 : f32
      %mul3A_262 = vector.broadcast %mul3A_261 : f32 to vector<294x300xf32>
      %mul3A_263 = arith.mulf %log3A_260, %mul3A_262 : vector<294x300xf32>
      %gt3A_264 = vector.broadcast %get3A_195 : f32 to vector<294x300xf32>
      %gt3A_265 = arith.cmpf ogt, %mul3A_263, %gt3A_264 : vector<294x300xf32>
      %sub3A_266 = vector.broadcast %get3A_195 : f32 to vector<294x300xf32>
      %sub3A_267 = arith.subf %sub3A_266, %mul3A_263 : vector<294x300xf32>
      %div3A_268 = arith.constant 1.000000e+00 : f32
      %div3A_269 = arith.divf %div3A_268, %get3A_198 : f32
      %sub3A_270 = arith.constant 1.000000e+00 : f32
      %sub3A_271 = arith.subf %sub3A_270, %div3A_269 : f32
      %mul3A_272 = vector.broadcast %sub3A_271 : f32 to vector<294x300xf32>
      %mul3A_273 = arith.mulf %sub3A_267, %mul3A_272 : vector<294x300xf32>
      %jit3A_274 = arith.constant 0.000000e+00 : f32
      %broadcast_in_dim3A_275 = vector.broadcast %jit3A_274 : f32 to vector<294x300xf32>
      %select_n3A_276 = arith.select %gt3A_265, %mul3A_273, %broadcast_in_dim3A_275 : vector<294x300xi1>, vector<294x300xf32>
      %mul3A_277 = arith.constant 0.115129255 : f32
      %mul3A_278 = vector.broadcast %mul3A_277 : f32 to vector<294x300xf32>
      %mul3A_279 = arith.mulf %select_n3A_276, %mul3A_278 : vector<294x300xf32>
      %exp3A_280 = math.exp %mul3A_279 : vector<294x300xf32>
      %concatenate3A_281 = tpu.concatenate %exp3A_239, %exp3A_280 in 0 : vector<294x300xf32>, vector<294x300xf32> -> vector<588x300xf32>
      %mul3A_282 = arith.mulf %mul3A_191, %concatenate3A_281 : vector<588x300xf32>
      %add3A_283 = arith.addf %add3A_185, %mul3A_282 : vector<588x300xf32>
      %mul3A_284 = arith.mulf %mul3A_192, %concatenate3A_281 : vector<588x300xf32>
      %add3A_285 = arith.addf %add3A_187, %mul3A_284 : vector<588x300xf32>
      %get3A_286 = arith.constant 0 : index
      %get3A_287 = arith.constant 0 : index
      %get3A_288 = vector.load %arg16[%get3A_286, %get3A_287] : memref<588x300xf32, #tpu.memory_space<vmem>>, vector<588x300xf32>
      %mul3A_289 = arith.mulf %sub3A_89, %get3A_288 : vector<588x300xf32>
      %mul3A_290 = arith.mulf %add3A_94, %get3A_288 : vector<588x300xf32>
      %get3A_291 = arith.index_cast %arg0 : i32 to index
      %get3A_292 = arith.constant 8 : index
      %get3A_293 = memref.load %arg2[%get3A_291, %get3A_292] : memref<32x17xf32, #tpu.memory_space<smem>>
      %get3A_294 = arith.index_cast %arg0 : i32 to index
      %get3A_295 = arith.constant 9 : index
      %get3A_296 = memref.load %arg2[%get3A_294, %get3A_295] : memref<32x17xf32, #tpu.memory_space<smem>>
      %slice3A_297 = vector.extract_strided_slice %mul3A_289 {offsets = [0, 0], sizes = [294, 300], strides = [1, 1]} : vector<588x300xf32> to vector<294x300xf32>
      %slice3A_298 = vector.extract_strided_slice %mul3A_290 {offsets = [0, 0], sizes = [294, 300], strides = [1, 1]} : vector<588x300xf32> to vector<294x300xf32>
      %mul3A_299 = arith.mulf %slice3A_297, %slice3A_297 : vector<294x300xf32>
      %mul3A_300 = arith.mulf %slice3A_298, %slice3A_298 : vector<294x300xf32>
      %add3A_301 = arith.addf %mul3A_299, %mul3A_300 : vector<294x300xf32>
      %reduce_sum3A_302 = vector.shape_cast %add3A_301 : vector<294x300xf32> to vector<1x294x300xf32>
      %reduce_sum3A_303 = arith.constant dense<0.000000e+00> : vector<1xf32>
      %reduce_sum3A_304 = vector.multi_reduction <add>, %reduce_sum3A_302, %reduce_sum3A_303 [1, 2] : vector<1x294x300xf32> to vector<1xf32>
      %reduce_sum3A_305 = vector.shape_cast %reduce_sum3A_304 : vector<1xf32> to vector<1x1x1xf32>
      %reduce_sum3A_306 = vector.extract %reduce_sum3A_305[0, 0, 0] : f32 from vector<1x1x1xf32>
      %mul3A_307 = arith.constant 1.28547256E-10 : f32
      %mul3A_308 = arith.mulf %reduce_sum3A_306, %mul3A_307 : f32
      %broadcast_in_dim3A_309 = vector.broadcast %mul3A_308 : f32 to vector<294x300xf32>
      %add3A_310 = arith.constant 9.99999993E-9 : f32
      %add3A_311 = vector.broadcast %add3A_310 : f32 to vector<294x300xf32>
      %add3A_312 = arith.addf %broadcast_in_dim3A_309, %add3A_311 : vector<294x300xf32>
      %sqrt3A_313 = math.sqrt %add3A_312 : vector<294x300xf32>
      %add3A_314 = arith.constant 9.99999993E-9 : f32
      %add3A_315 = vector.broadcast %add3A_314 : f32 to vector<294x300xf32>
      %add3A_316 = arith.addf %sqrt3A_313, %add3A_315 : vector<294x300xf32>
      %log3A_317 = math.log %add3A_316 : vector<294x300xf32>
      %mul3A_318 = arith.constant 8.68588924 : f32
      %mul3A_319 = vector.broadcast %mul3A_318 : f32 to vector<294x300xf32>
      %mul3A_320 = arith.mulf %log3A_317, %mul3A_319 : vector<294x300xf32>
      %gt3A_321 = vector.broadcast %get3A_293 : f32 to vector<294x300xf32>
      %gt3A_322 = arith.cmpf ogt, %mul3A_320, %gt3A_321 : vector<294x300xf32>
      %sub3A_323 = vector.broadcast %get3A_293 : f32 to vector<294x300xf32>
      %sub3A_324 = arith.subf %sub3A_323, %mul3A_320 : vector<294x300xf32>
      %div3A_325 = arith.constant 1.000000e+00 : f32
      %div3A_326 = arith.divf %div3A_325, %get3A_296 : f32
      %sub3A_327 = arith.constant 1.000000e+00 : f32
      %sub3A_328 = arith.subf %sub3A_327, %div3A_326 : f32
      %mul3A_329 = vector.broadcast %sub3A_328 : f32 to vector<294x300xf32>
      %mul3A_330 = arith.mulf %sub3A_324, %mul3A_329 : vector<294x300xf32>
      %jit3A_331 = arith.constant 0.000000e+00 : f32
      %broadcast_in_dim3A_332 = vector.broadcast %jit3A_331 : f32 to vector<294x300xf32>
      %select_n3A_333 = arith.select %gt3A_322, %mul3A_330, %broadcast_in_dim3A_332 : vector<294x300xi1>, vector<294x300xf32>
      %mul3A_334 = arith.constant 0.115129255 : f32
      %mul3A_335 = vector.broadcast %mul3A_334 : f32 to vector<294x300xf32>
      %mul3A_336 = arith.mulf %select_n3A_333, %mul3A_335 : vector<294x300xf32>
      %exp3A_337 = math.exp %mul3A_336 : vector<294x300xf32>
      %slice3A_338 = vector.extract_strided_slice %mul3A_289 {offsets = [294, 0], sizes = [294, 300], strides = [1, 1]} : vector<588x300xf32> to vector<294x300xf32>
      %slice3A_339 = vector.extract_strided_slice %mul3A_290 {offsets = [294, 0], sizes = [294, 300], strides = [1, 1]} : vector<588x300xf32> to vector<294x300xf32>
      %mul3A_340 = arith.mulf %slice3A_338, %slice3A_338 : vector<294x300xf32>
      %mul3A_341 = arith.mulf %slice3A_339, %slice3A_339 : vector<294x300xf32>
      %add3A_342 = arith.addf %mul3A_340, %mul3A_341 : vector<294x300xf32>
      %reduce_sum3A_343 = vector.shape_cast %add3A_342 : vector<294x300xf32> to vector<1x294x300xf32>
      %reduce_sum3A_344 = arith.constant dense<0.000000e+00> : vector<1xf32>
      %reduce_sum3A_345 = vector.multi_reduction <add>, %reduce_sum3A_343, %reduce_sum3A_344 [1, 2] : vector<1x294x300xf32> to vector<1xf32>
      %reduce_sum3A_346 = vector.shape_cast %reduce_sum3A_345 : vector<1xf32> to vector<1x1x1xf32>
      %reduce_sum3A_347 = vector.extract %reduce_sum3A_346[0, 0, 0] : f32 from vector<1x1x1xf32>
      %mul3A_348 = arith.constant 1.28547256E-10 : f32
      %mul3A_349 = arith.mulf %reduce_sum3A_347, %mul3A_348 : f32
      %broadcast_in_dim3A_350 = vector.broadcast %mul3A_349 : f32 to vector<294x300xf32>
      %add3A_351 = arith.constant 9.99999993E-9 : f32
      %add3A_352 = vector.broadcast %add3A_351 : f32 to vector<294x300xf32>
      %add3A_353 = arith.addf %broadcast_in_dim3A_350, %add3A_352 : vector<294x300xf32>
      %sqrt3A_354 = math.sqrt %add3A_353 : vector<294x300xf32>
      %add3A_355 = arith.constant 9.99999993E-9 : f32
      %add3A_356 = vector.broadcast %add3A_355 : f32 to vector<294x300xf32>
      %add3A_357 = arith.addf %sqrt3A_354, %add3A_356 : vector<294x300xf32>
      %log3A_358 = math.log %add3A_357 : vector<294x300xf32>
      %mul3A_359 = arith.constant 8.68588924 : f32
      %mul3A_360 = vector.broadcast %mul3A_359 : f32 to vector<294x300xf32>
      %mul3A_361 = arith.mulf %log3A_358, %mul3A_360 : vector<294x300xf32>
      %gt3A_362 = vector.broadcast %get3A_293 : f32 to vector<294x300xf32>
      %gt3A_363 = arith.cmpf ogt, %mul3A_361, %gt3A_362 : vector<294x300xf32>
      %sub3A_364 = vector.broadcast %get3A_293 : f32 to vector<294x300xf32>
      %sub3A_365 = arith.subf %sub3A_364, %mul3A_361 : vector<294x300xf32>
      %div3A_366 = arith.constant 1.000000e+00 : f32
      %div3A_367 = arith.divf %div3A_366, %get3A_296 : f32
      %sub3A_368 = arith.constant 1.000000e+00 : f32
      %sub3A_369 = arith.subf %sub3A_368, %div3A_367 : f32
      %mul3A_370 = vector.broadcast %sub3A_369 : f32 to vector<294x300xf32>
      %mul3A_371 = arith.mulf %sub3A_365, %mul3A_370 : vector<294x300xf32>
      %jit3A_372 = arith.constant 0.000000e+00 : f32
      %broadcast_in_dim3A_373 = vector.broadcast %jit3A_372 : f32 to vector<294x300xf32>
      %select_n3A_374 = arith.select %gt3A_363, %mul3A_371, %broadcast_in_dim3A_373 : vector<294x300xi1>, vector<294x300xf32>
      %mul3A_375 = arith.constant 0.115129255 : f32
      %mul3A_376 = vector.broadcast %mul3A_375 : f32 to vector<294x300xf32>
      %mul3A_377 = arith.mulf %select_n3A_374, %mul3A_376 : vector<294x300xf32>
      %exp3A_378 = math.exp %mul3A_377 : vector<294x300xf32>
      %concatenate3A_379 = tpu.concatenate %exp3A_337, %exp3A_378 in 0 : vector<294x300xf32>, vector<294x300xf32> -> vector<588x300xf32>
      %mul3A_380 = arith.mulf %mul3A_289, %concatenate3A_379 : vector<588x300xf32>
      %add3A_381 = arith.addf %add3A_283, %mul3A_380 : vector<588x300xf32>
      %mul3A_382 = arith.mulf %mul3A_290, %concatenate3A_379 : vector<588x300xf32>
      %add3A_383 = arith.addf %add3A_285, %mul3A_382 : vector<588x300xf32>
      %get3A_384 = arith.constant 0 : index
      %get3A_385 = arith.constant 0 : index
      %get3A_386 = vector.load %arg6[%get3A_384, %get3A_385] : memref<300x300xf32, #tpu.memory_space<vmem>>, vector<300x300xf32>
      %get3A_387 = arith.constant 0 : index
      %get3A_388 = arith.constant 0 : index
      %get3A_389 = vector.load %arg7[%get3A_387, %get3A_388] : memref<300x300xf32, #tpu.memory_space<vmem>>, vector<300x300xf32>
      %dot_general3A_390 = arith.constant dense<0.000000e+00> : vector<588x300xf32>
      %dot_general3A_391 = tpu.matmul %add3A_381, %get3A_386, %dot_general3A_390 {dimension_numbers = #tpu.dot_dimension_numbers<[1], [0], [0], [1], [0, 0, 1, 1], [], []>, transpose_lhs_hint = false} : vector<588x300xf32>, vector<300x300xf32>, vector<588x300xf32> -> vector<588x300xf32>
      %dot_general3A_392 = arith.constant dense<0.000000e+00> : vector<588x300xf32>
      %dot_general3A_393 = tpu.matmul %add3A_383, %get3A_389, %dot_general3A_392 {dimension_numbers = #tpu.dot_dimension_numbers<[1], [0], [0], [1], [0, 0, 1, 1], [], []>, transpose_lhs_hint = false} : vector<588x300xf32>, vector<300x300xf32>, vector<588x300xf32> -> vector<588x300xf32>
      %add3A_394 = arith.addf %dot_general3A_391, %dot_general3A_393 : vector<588x300xf32>
      %dot_general3A_395 = arith.constant dense<0.000000e+00> : vector<588x300xf32>
      %dot_general3A_396 = tpu.matmul %add3A_383, %get3A_386, %dot_general3A_395 {dimension_numbers = #tpu.dot_dimension_numbers<[1], [0], [0], [1], [0, 0, 1, 1], [], []>, transpose_lhs_hint = false} : vector<588x300xf32>, vector<300x300xf32>, vector<588x300xf32> -> vector<588x300xf32>
      %dot_general3A_397 = arith.constant dense<0.000000e+00> : vector<588x300xf32>
      %dot_general3A_398 = tpu.matmul %add3A_381, %get3A_389, %dot_general3A_397 {dimension_numbers = #tpu.dot_dimension_numbers<[1], [0], [0], [1], [0, 0, 1, 1], [], []>, transpose_lhs_hint = false} : vector<588x300xf32>, vector<300x300xf32>, vector<588x300xf32> -> vector<588x300xf32>
      %sub3A_399 = arith.subf %dot_general3A_396, %dot_general3A_398 : vector<588x300xf32>
      %get3A_400 = arith.constant 0 : index
      %get3A_401 = arith.constant 0 : index
      %get3A_402 = vector.load %arg12[%get3A_400, %get3A_401] : memref<588x300xf32, #tpu.memory_space<vmem>>, vector<588x300xf32>
      %mul3A_403 = arith.mulf %add3A_394, %get3A_402 : vector<588x300xf32>
      %get3A_404 = arith.constant 0 : index
      %get3A_405 = arith.constant 0 : index
      %get3A_406 = vector.load %arg13[%get3A_404, %get3A_405] : memref<588x300xf32, #tpu.memory_space<vmem>>, vector<588x300xf32>
      %mul3A_407 = arith.mulf %sub3A_399, %get3A_406 : vector<588x300xf32>
      %add3A_408 = arith.addf %mul3A_403, %mul3A_407 : vector<588x300xf32>
      %get3A_409 = arith.constant 0 : index
      %get3A_410 = arith.constant 0 : index
      %get3A_411 = vector.load %arg12[%get3A_409, %get3A_410] : memref<588x300xf32, #tpu.memory_space<vmem>>, vector<588x300xf32>
      %mul3A_412 = arith.mulf %sub3A_399, %get3A_411 : vector<588x300xf32>
      %get3A_413 = arith.constant 0 : index
      %get3A_414 = arith.constant 0 : index
      %get3A_415 = vector.load %arg13[%get3A_413, %get3A_414] : memref<588x300xf32, #tpu.memory_space<vmem>>, vector<588x300xf32>
      %mul3A_416 = arith.mulf %add3A_394, %get3A_415 : vector<588x300xf32>
      %sub3A_417 = arith.subf %mul3A_412, %mul3A_416 : vector<588x300xf32>
      %slice3A_418 = vector.extract_strided_slice %add3A_408 {offsets = [0, 0], sizes = [294, 300], strides = [1, 1]} : vector<588x300xf32> to vector<294x300xf32>
      %slice3A_419 = vector.extract_strided_slice %add3A_408 {offsets = [294, 0], sizes = [294, 300], strides = [1, 1]} : vector<588x300xf32> to vector<294x300xf32>
      %concatenate3A_420 = tpu.concatenate %slice3A_418, %slice3A_419 in 1 : vector<294x300xf32>, vector<294x300xf32> -> vector<294x600xf32>
      %slice3A_421 = vector.extract_strided_slice %sub3A_417 {offsets = [0, 0], sizes = [294, 300], strides = [1, 1]} : vector<588x300xf32> to vector<294x300xf32>
      %slice3A_422 = vector.extract_strided_slice %sub3A_417 {offsets = [294, 0], sizes = [294, 300], strides = [1, 1]} : vector<588x300xf32> to vector<294x300xf32>
      %concatenate3A_423 = tpu.concatenate %slice3A_421, %slice3A_422 in 1 : vector<294x300xf32>, vector<294x300xf32> -> vector<294x600xf32>
      %get3A_424 = arith.constant 0 : index
      %get3A_425 = arith.constant 0 : index
      %get3A_426 = vector.load %arg4[%get3A_424, %get3A_425] : memref<294x294xf32, #tpu.memory_space<vmem>>, vector<294x294xf32>
      %dot_general3A_427 = arith.constant dense<0.000000e+00> : vector<294x600xf32>
      %dot_general3A_428 = tpu.matmul %get3A_426, %concatenate3A_420, %dot_general3A_427 {dimension_numbers = #tpu.dot_dimension_numbers<[1], [0], [0], [1], [0, 0, 1, 1], [], []>, transpose_lhs_hint = false} : vector<294x294xf32>, vector<294x600xf32>, vector<294x600xf32> -> vector<294x600xf32>
      %get3A_429 = arith.constant 0 : index
      %get3A_430 = arith.constant 0 : index
      %get3A_431 = vector.load %arg5[%get3A_429, %get3A_430] : memref<294x294xf32, #tpu.memory_space<vmem>>, vector<294x294xf32>
      %dot_general3A_432 = arith.constant dense<0.000000e+00> : vector<294x600xf32>
      %dot_general3A_433 = tpu.matmul %get3A_431, %concatenate3A_423, %dot_general3A_432 {dimension_numbers = #tpu.dot_dimension_numbers<[1], [0], [0], [1], [0, 0, 1, 1], [], []>, transpose_lhs_hint = false} : vector<294x294xf32>, vector<294x600xf32>, vector<294x600xf32> -> vector<294x600xf32>
      %add3A_434 = arith.addf %dot_general3A_428, %dot_general3A_433 : vector<294x600xf32>
      %mul3A_435 = arith.constant 1.13378683E-5 : f32
      %mul3A_436 = vector.broadcast %mul3A_435 : f32 to vector<294x600xf32>
      %mul3A_437 = arith.mulf %add3A_434, %mul3A_436 : vector<294x600xf32>
      %slice3A_438 = vector.extract_strided_slice %mul3A_437 {offsets = [0, 0], sizes = [294, 300], strides = [1, 1]} : vector<294x600xf32> to vector<294x300xf32>
      %swap3A = arith.constant 0 : index
      %swap3A_439 = arith.constant 0 : index
      %swap3A_440 = arith.constant 0 : index
      %swap3A_441 = arith.constant 0 : index
      %swap3A_442 = vector.load %arg21[%swap3A, %swap3A_439, %swap3A_440, %swap3A_441] : memref<1x2x294x300xf32, #tpu.memory_space<vmem>>, vector<1x1x294x300xf32>
      %swap3A_443 = vector.shape_cast %swap3A_442 : vector<1x1x294x300xf32> to vector<294x300xf32>
      %swap3A_444 = vector.shape_cast %slice3A_438 : vector<294x300xf32> to vector<1x1x294x300xf32>
      tpu.vector_store %arg21[%swap3A, %swap3A_439, %swap3A_440, %swap3A_441], %swap3A_444 {strides = array<i32>} : memref<1x2x294x300xf32, #tpu.memory_space<vmem>>, vector<1x1x294x300xf32>,
      %slice3A_445 = vector.extract_strided_slice %mul3A_437 {offsets = [0, 300], sizes = [294, 300], strides = [1, 1]} : vector<294x600xf32> to vector<294x300xf32>
      %swap3A_446 = arith.constant 0 : index
      %swap3A_447 = arith.constant 1 : index
      %swap3A_448 = arith.constant 0 : index
      %swap3A_449 = arith.constant 0 : index
      %swap3A_450 = vector.load %arg21[%swap3A_446, %swap3A_447, %swap3A_448, %swap3A_449] : memref<1x2x294x300xf32, #tpu.memory_space<vmem>>, vector<1x1x294x300xf32>
      %swap3A_451 = vector.shape_cast %swap3A_450 : vector<1x1x294x300xf32> to vector<294x300xf32>
      %swap3A_452 = vector.shape_cast %slice3A_445 : vector<294x300xf32> to vector<1x1x294x300xf32>
      tpu.vector_store %arg21[%swap3A_446, %swap3A_447, %swap3A_448, %swap3A_449], %swap3A_452 {strides = array<i32>} : memref<1x2x294x300xf32, #tpu.memory_space<vmem>>, vector<1x1x294x300xf32>,
    } else {
    }
    %eq3A_13 = arith.constant 3 : i32
    %eq3A_14 = arith.cmpi eq, %get3A_0, %eq3A_13 : i32
    %convert_element_type3A_15 = arith.extui %eq3A_14 : i1 to i32
    %cond3A_16 = arith.constant 0 : i32
    %cond3A_17 = arith.cmpi ne, %convert_element_type3A_15, %cond3A_16 : i32
    scf.if %cond3A_17 {
      %get3A_38 = arith.index_cast %arg0 : i32 to index
      %get3A_39 = arith.constant 10 : index
      %get3A_40 = memref.load %arg2[%get3A_38, %get3A_39] : memref<32x17xf32, #tpu.memory_space<smem>>
      %get3A_41 = arith.constant 0 : index
      %get3A_42 = arith.constant 0 : index
      %get3A_43 = arith.constant 0 : index
      %get3A_44 = arith.constant 0 : index
      %get3A_45 = vector.load %arg1[%get3A_41, %get3A_42, %get3A_43, %get3A_44] : memref<1x2x294x300xf32, #tpu.memory_space<vmem>>, vector<1x1x294x300xf32>
      %get3A_46 = vector.shape_cast %get3A_45 : vector<1x1x294x300xf32> to vector<294x300xf32>
      %mul3A = vector.broadcast %get3A_40 : f32 to vector<294x300xf32>
      %mul3A_47 = arith.mulf %mul3A, %get3A_46 : vector<294x300xf32>
      %swap3A = arith.constant 0 : index
      %swap3A_48 = arith.constant 0 : index
      %swap3A_49 = arith.constant 0 : index
      %swap3A_50 = arith.constant 0 : index
      %swap3A_51 = vector.load %arg21[%swap3A, %swap3A_48, %swap3A_49, %swap3A_50] : memref<1x2x294x300xf32, #tpu.memory_space<vmem>>, vector<1x1x294x300xf32>
      %swap3A_52 = vector.shape_cast %swap3A_51 : vector<1x1x294x300xf32> to vector<294x300xf32>
      %swap3A_53 = vector.shape_cast %mul3A_47 : vector<294x300xf32> to vector<1x1x294x300xf32>
      tpu.vector_store %arg21[%swap3A, %swap3A_48, %swap3A_49, %swap3A_50], %swap3A_53 {strides = array<i32>} : memref<1x2x294x300xf32, #tpu.memory_space<vmem>>, vector<1x1x294x300xf32>,
      %get3A_54 = arith.constant 0 : index
      %get3A_55 = arith.constant 1 : index
      %get3A_56 = arith.constant 0 : index
      %get3A_57 = arith.constant 0 : index
      %get3A_58 = vector.load %arg1[%get3A_54, %get3A_55, %get3A_56, %get3A_57] : memref<1x2x294x300xf32, #tpu.memory_space<vmem>>, vector<1x1x294x300xf32>
      %get3A_59 = vector.shape_cast %get3A_58 : vector<1x1x294x300xf32> to vector<294x300xf32>
      %mul3A_60 = vector.broadcast %get3A_40 : f32 to vector<294x300xf32>
      %mul3A_61 = arith.mulf %mul3A_60, %get3A_59 : vector<294x300xf32>
      %swap3A_62 = arith.constant 0 : index
      %swap3A_63 = arith.constant 1 : index
      %swap3A_64 = arith.constant 0 : index
      %swap3A_65 = arith.constant 0 : index
      %swap3A_66 = vector.load %arg21[%swap3A_62, %swap3A_63, %swap3A_64, %swap3A_65] : memref<1x2x294x300xf32, #tpu.memory_space<vmem>>, vector<1x1x294x300xf32>
      %swap3A_67 = vector.shape_cast %swap3A_66 : vector<1x1x294x300xf32> to vector<294x300xf32>
      %swap3A_68 = vector.shape_cast %mul3A_61 : vector<294x300xf32> to vector<1x1x294x300xf32>
      tpu.vector_store %arg21[%swap3A_62, %swap3A_63, %swap3A_64, %swap3A_65], %swap3A_68 {strides = array<i32>} : memref<1x2x294x300xf32, #tpu.memory_space<vmem>>, vector<1x1x294x300xf32>,
    } else {
    }
    %eq3A_18 = arith.constant 4 : i32
    %eq3A_19 = arith.cmpi eq, %get3A_0, %eq3A_18 : i32
    %convert_element_type3A_20 = arith.extui %eq3A_19 : i1 to i32
    %cond3A_21 = arith.constant 0 : i32
    %cond3A_22 = arith.cmpi ne, %convert_element_type3A_20, %cond3A_21 : i32
    scf.if %cond3A_22 {
      %get3A_38 = arith.index_cast %arg0 : i32 to index
      %get3A_39 = arith.constant 11 : index
      %get3A_40 = memref.load %arg2[%get3A_38, %get3A_39] : memref<32x17xf32, #tpu.memory_space<smem>>
      %get3A_41 = arith.constant 0 : index
      %get3A_42 = arith.constant 0 : index
      %get3A_43 = arith.constant 0 : index
      %get3A_44 = arith.constant 0 : index
      %get3A_45 = vector.load %arg1[%get3A_41, %get3A_42, %get3A_43, %get3A_44] : memref<1x2x294x300xf32, #tpu.memory_space<vmem>>, vector<1x1x294x300xf32>
      %get3A_46 = vector.shape_cast %get3A_45 : vector<1x1x294x300xf32> to vector<294x300xf32>
      %div3A = vector.broadcast %get3A_40 : f32 to vector<294x300xf32>
      %div3A_47 = arith.divf %get3A_46, %div3A : vector<294x300xf32>
      %tanh3A = math.tanh %div3A_47 : vector<294x300xf32>
      %mul3A = vector.broadcast %get3A_40 : f32 to vector<294x300xf32>
      %mul3A_48 = arith.mulf %mul3A, %tanh3A : vector<294x300xf32>
      %swap3A = arith.constant 0 : index
      %swap3A_49 = arith.constant 0 : index
      %swap3A_50 = arith.constant 0 : index
      %swap3A_51 = arith.constant 0 : index
      %swap3A_52 = vector.load %arg21[%swap3A, %swap3A_49, %swap3A_50, %swap3A_51] : memref<1x2x294x300xf32, #tpu.memory_space<vmem>>, vector<1x1x294x300xf32>
      %swap3A_53 = vector.shape_cast %swap3A_52 : vector<1x1x294x300xf32> to vector<294x300xf32>
      %swap3A_54 = vector.shape_cast %mul3A_48 : vector<294x300xf32> to vector<1x1x294x300xf32>
      tpu.vector_store %arg21[%swap3A, %swap3A_49, %swap3A_50, %swap3A_51], %swap3A_54 {strides = array<i32>} : memref<1x2x294x300xf32, #tpu.memory_space<vmem>>, vector<1x1x294x300xf32>,
      %get3A_55 = arith.constant 0 : index
      %get3A_56 = arith.constant 1 : index
      %get3A_57 = arith.constant 0 : index
      %get3A_58 = arith.constant 0 : index
      %get3A_59 = vector.load %arg1[%get3A_55, %get3A_56, %get3A_57, %get3A_58] : memref<1x2x294x300xf32, #tpu.memory_space<vmem>>, vector<1x1x294x300xf32>
      %get3A_60 = vector.shape_cast %get3A_59 : vector<1x1x294x300xf32> to vector<294x300xf32>
      %div3A_61 = vector.broadcast %get3A_40 : f32 to vector<294x300xf32>
      %div3A_62 = arith.divf %get3A_60, %div3A_61 : vector<294x300xf32>
      %tanh3A_63 = math.tanh %div3A_62 : vector<294x300xf32>
      %mul3A_64 = vector.broadcast %get3A_40 : f32 to vector<294x300xf32>
      %mul3A_65 = arith.mulf %mul3A_64, %tanh3A_63 : vector<294x300xf32>
      %swap3A_66 = arith.constant 0 : index
      %swap3A_67 = arith.constant 1 : index
      %swap3A_68 = arith.constant 0 : index
      %swap3A_69 = arith.constant 0 : index
      %swap3A_70 = vector.load %arg21[%swap3A_66, %swap3A_67, %swap3A_68, %swap3A_69] : memref<1x2x294x300xf32, #tpu.memory_space<vmem>>, vector<1x1x294x300xf32>
      %swap3A_71 = vector.shape_cast %swap3A_70 : vector<1x1x294x300xf32> to vector<294x300xf32>
      %swap3A_72 = vector.shape_cast %mul3A_65 : vector<294x300xf32> to vector<1x1x294x300xf32>
      tpu.vector_store %arg21[%swap3A_66, %swap3A_67, %swap3A_68, %swap3A_69], %swap3A_72 {strides = array<i32>} : memref<1x2x294x300xf32, #tpu.memory_space<vmem>>, vector<1x1x294x300xf32>,
    } else {
    }
    %eq3A_23 = arith.constant 5 : i32
    %eq3A_24 = arith.cmpi eq, %get3A_0, %eq3A_23 : i32
    %convert_element_type3A_25 = arith.extui %eq3A_24 : i1 to i32
    %cond3A_26 = arith.constant 0 : i32
    %cond3A_27 = arith.cmpi ne, %convert_element_type3A_25, %cond3A_26 : i32
    scf.if %cond3A_27 {
      %get3A_38 = arith.index_cast %arg0 : i32 to index
      %get3A_39 = arith.constant 12 : index
      %get3A_40 = memref.load %arg2[%get3A_38, %get3A_39] : memref<32x17xf32, #tpu.memory_space<smem>>
      %get3A_41 = arith.constant 0 : index
      %get3A_42 = arith.constant 0 : index
      %get3A_43 = arith.constant 0 : index
      %get3A_44 = arith.constant 0 : index
      %get3A_45 = vector.load %arg1[%get3A_41, %get3A_42, %get3A_43, %get3A_44] : memref<1x2x294x300xf32, #tpu.memory_space<vmem>>, vector<1x1x294x300xf32>
      %get3A_46 = vector.shape_cast %get3A_45 : vector<1x1x294x300xf32> to vector<294x300xf32>
      %get3A_47 = arith.constant 0 : index
      %get3A_48 = arith.constant 1 : index
      %get3A_49 = arith.constant 0 : index
      %get3A_50 = arith.constant 0 : index
      %get3A_51 = vector.load %arg1[%get3A_47, %get3A_48, %get3A_49, %get3A_50] : memref<1x2x294x300xf32, #tpu.memory_space<vmem>>, vector<1x1x294x300xf32>
      %get3A_52 = vector.shape_cast %get3A_51 : vector<1x1x294x300xf32> to vector<294x300xf32>
      %add3A = arith.addf %get3A_46, %get3A_52 : vector<294x300xf32>
      %mul3A = arith.constant 5.000000e-01 : f32
      %mul3A_53 = vector.broadcast %mul3A : f32 to vector<294x300xf32>
      %mul3A_54 = arith.mulf %mul3A_53, %add3A : vector<294x300xf32>
      %sub3A = arith.subf %get3A_46, %get3A_52 : vector<294x300xf32>
      %mul3A_55 = arith.constant 5.000000e-01 : f32
      %mul3A_56 = vector.broadcast %mul3A_55 : f32 to vector<294x300xf32>
      %mul3A_57 = arith.mulf %mul3A_56, %sub3A : vector<294x300xf32>
      %mul3A_58 = vector.broadcast %get3A_40 : f32 to vector<294x300xf32>
      %mul3A_59 = arith.mulf %mul3A_58, %mul3A_57 : vector<294x300xf32>
      %add3A_60 = arith.addf %mul3A_54, %mul3A_59 : vector<294x300xf32>
      %swap3A = arith.constant 0 : index
      %swap3A_61 = arith.constant 0 : index
      %swap3A_62 = arith.constant 0 : index
      %swap3A_63 = arith.constant 0 : index
      %swap3A_64 = vector.load %arg21[%swap3A, %swap3A_61, %swap3A_62, %swap3A_63] : memref<1x2x294x300xf32, #tpu.memory_space<vmem>>, vector<1x1x294x300xf32>
      %swap3A_65 = vector.shape_cast %swap3A_64 : vector<1x1x294x300xf32> to vector<294x300xf32>
      %swap3A_66 = vector.shape_cast %add3A_60 : vector<294x300xf32> to vector<1x1x294x300xf32>
      tpu.vector_store %arg21[%swap3A, %swap3A_61, %swap3A_62, %swap3A_63], %swap3A_66 {strides = array<i32>} : memref<1x2x294x300xf32, #tpu.memory_space<vmem>>, vector<1x1x294x300xf32>,
      %mul3A_67 = vector.broadcast %get3A_40 : f32 to vector<294x300xf32>
      %mul3A_68 = arith.mulf %mul3A_67, %mul3A_57 : vector<294x300xf32>
      %sub3A_69 = arith.subf %mul3A_54, %mul3A_68 : vector<294x300xf32>
      %swap3A_70 = arith.constant 0 : index
      %swap3A_71 = arith.constant 1 : index
      %swap3A_72 = arith.constant 0 : index
      %swap3A_73 = arith.constant 0 : index
      %swap3A_74 = vector.load %arg21[%swap3A_70, %swap3A_71, %swap3A_72, %swap3A_73] : memref<1x2x294x300xf32, #tpu.memory_space<vmem>>, vector<1x1x294x300xf32>
      %swap3A_75 = vector.shape_cast %swap3A_74 : vector<1x1x294x300xf32> to vector<294x300xf32>
      %swap3A_76 = vector.shape_cast %sub3A_69 : vector<294x300xf32> to vector<1x1x294x300xf32>
      tpu.vector_store %arg21[%swap3A_70, %swap3A_71, %swap3A_72, %swap3A_73], %swap3A_76 {strides = array<i32>} : memref<1x2x294x300xf32, #tpu.memory_space<vmem>>, vector<1x1x294x300xf32>,
    } else {
    }
    %eq3A_28 = arith.constant 6 : i32
    %eq3A_29 = arith.cmpi eq, %get3A_0, %eq3A_28 : i32
    %convert_element_type3A_30 = arith.extui %eq3A_29 : i1 to i32
    %cond3A_31 = arith.constant 0 : i32
    %cond3A_32 = arith.cmpi ne, %convert_element_type3A_30, %cond3A_31 : i32
    scf.if %cond3A_32 {
      %get3A_38 = arith.index_cast %arg0 : i32 to index
      %get3A_39 = arith.constant 13 : index
      %get3A_40 = memref.load %arg2[%get3A_38, %get3A_39] : memref<32x17xf32, #tpu.memory_space<smem>>
      %get3A_41 = arith.index_cast %arg0 : i32 to index
      %get3A_42 = arith.constant 14 : index
      %get3A_43 = memref.load %arg2[%get3A_41, %get3A_42] : memref<32x17xf32, #tpu.memory_space<smem>>
      %get3A_44 = arith.constant 0 : index
      %get3A_45 = arith.constant 0 : index
      %get3A_46 = vector.load %arg17[%get3A_44, %get3A_45] : memref<588x300xf32, #tpu.memory_space<vmem>>, vector<588x300xf32>
      %mul3A = vector.broadcast %get3A_40 : f32 to vector<588x300xf32>
      %mul3A_47 = arith.mulf %get3A_46, %mul3A : vector<588x300xf32>
      %cos3A = math.cos %mul3A_47 : vector<588x300xf32>
      %get3A_48 = arith.constant 0 : index
      %get3A_49 = arith.constant 0 : index
      %get3A_50 = vector.load %arg18[%get3A_48, %get3A_49] : memref<588x300xf32, #tpu.memory_space<vmem>>, vector<588x300xf32>
      %sin3A = math.sin %mul3A_47 : vector<588x300xf32>
      %mul3A_51 = arith.mulf %get3A_50, %sin3A : vector<588x300xf32>
      %get3A_52 = arith.constant 0 : index
      %get3A_53 = arith.constant 0 : index
      %get3A_54 = arith.constant 0 : index
      %get3A_55 = arith.constant 0 : index
      %get3A_56 = vector.load %arg1[%get3A_52, %get3A_53, %get3A_54, %get3A_55] : memref<1x2x294x300xf32, #tpu.memory_space<vmem>>, vector<1x1x294x300xf32>
      %get3A_57 = vector.shape_cast %get3A_56 : vector<1x1x294x300xf32> to vector<294x300xf32>
      %get3A_58 = arith.constant 0 : index
      %get3A_59 = arith.constant 1 : index
      %get3A_60 = arith.constant 0 : index
      %get3A_61 = arith.constant 0 : index
      %get3A_62 = vector.load %arg1[%get3A_58, %get3A_59, %get3A_60, %get3A_61] : memref<1x2x294x300xf32, #tpu.memory_space<vmem>>, vector<1x1x294x300xf32>
      %get3A_63 = vector.shape_cast %get3A_62 : vector<1x1x294x300xf32> to vector<294x300xf32>
      %concatenate3A = tpu.concatenate %get3A_57, %get3A_63 in 1 : vector<294x300xf32>, vector<294x300xf32> -> vector<294x600xf32>
      %get3A_64 = arith.constant 0 : index
      %get3A_65 = arith.constant 0 : index
      %get3A_66 = vector.load %arg4[%get3A_64, %get3A_65] : memref<294x294xf32, #tpu.memory_space<vmem>>, vector<294x294xf32>
      %dot_general3A = arith.constant dense<0.000000e+00> : vector<294x600xf32>
      %dot_general3A_67 = tpu.matmul %get3A_66, %concatenate3A, %dot_general3A {dimension_numbers = #tpu.dot_dimension_numbers<[1], [0], [0], [1], [0, 0, 1, 1], [], []>, transpose_lhs_hint = false} : vector<294x294xf32>, vector<294x600xf32>, vector<294x600xf32> -> vector<294x600xf32>
      %get3A_68 = arith.constant 0 : index
      %get3A_69 = arith.constant 0 : index
      %get3A_70 = vector.load %arg5[%get3A_68, %get3A_69] : memref<294x294xf32, #tpu.memory_space<vmem>>, vector<294x294xf32>
      %dot_general3A_71 = arith.constant dense<0.000000e+00> : vector<294x600xf32>
      %dot_general3A_72 = tpu.matmul %get3A_70, %concatenate3A, %dot_general3A_71 {dimension_numbers = #tpu.dot_dimension_numbers<[1], [0], [0], [1], [0, 0, 1, 1], [], []>, transpose_lhs_hint = false} : vector<294x294xf32>, vector<294x600xf32>, vector<294x600xf32> -> vector<294x600xf32>
      %get3A_73 = arith.constant 0 : index
      %get3A_74 = arith.constant 0 : index
      %get3A_75 = vector.load %arg10[%get3A_73, %get3A_74] : memref<294x600xf32, #tpu.memory_space<vmem>>, vector<294x600xf32>
      %mul3A_76 = arith.mulf %dot_general3A_67, %get3A_75 : vector<294x600xf32>
      %get3A_77 = arith.constant 0 : index
      %get3A_78 = arith.constant 0 : index
      %get3A_79 = vector.load %arg11[%get3A_77, %get3A_78] : memref<294x600xf32, #tpu.memory_space<vmem>>, vector<294x600xf32>
      %mul3A_80 = arith.mulf %dot_general3A_72, %get3A_79 : vector<294x600xf32>
      %sub3A = arith.subf %mul3A_76, %mul3A_80 : vector<294x600xf32>
      %get3A_81 = arith.constant 0 : index
      %get3A_82 = arith.constant 0 : index
      %get3A_83 = vector.load %arg11[%get3A_81, %get3A_82] : memref<294x600xf32, #tpu.memory_space<vmem>>, vector<294x600xf32>
      %mul3A_84 = arith.mulf %dot_general3A_67, %get3A_83 : vector<294x600xf32>
      %get3A_85 = arith.constant 0 : index
      %get3A_86 = arith.constant 0 : index
      %get3A_87 = vector.load %arg10[%get3A_85, %get3A_86] : memref<294x600xf32, #tpu.memory_space<vmem>>, vector<294x600xf32>
      %mul3A_88 = arith.mulf %dot_general3A_72, %get3A_87 : vector<294x600xf32>
      %add3A = arith.addf %mul3A_84, %mul3A_88 : vector<294x600xf32>
      %slice3A = vector.extract_strided_slice %sub3A {offsets = [0, 0], sizes = [294, 300], strides = [1, 1]} : vector<294x600xf32> to vector<294x300xf32>
      %slice3A_89 = vector.extract_strided_slice %sub3A {offsets = [0, 300], sizes = [294, 300], strides = [1, 1]} : vector<294x600xf32> to vector<294x300xf32>
      %concatenate3A_90 = tpu.concatenate %slice3A, %slice3A_89 in 0 : vector<294x300xf32>, vector<294x300xf32> -> vector<588x300xf32>
      %slice3A_91 = vector.extract_strided_slice %add3A {offsets = [0, 0], sizes = [294, 300], strides = [1, 1]} : vector<294x600xf32> to vector<294x300xf32>
      %slice3A_92 = vector.extract_strided_slice %add3A {offsets = [0, 300], sizes = [294, 300], strides = [1, 1]} : vector<294x600xf32> to vector<294x300xf32>
      %concatenate3A_93 = tpu.concatenate %slice3A_91, %slice3A_92 in 0 : vector<294x300xf32>, vector<294x300xf32> -> vector<588x300xf32>
      %get3A_94 = arith.constant 0 : index
      %get3A_95 = arith.constant 0 : index
      %get3A_96 = vector.load %arg6[%get3A_94, %get3A_95] : memref<300x300xf32, #tpu.memory_space<vmem>>, vector<300x300xf32>
      %get3A_97 = arith.constant 0 : index
      %get3A_98 = arith.constant 0 : index
      %get3A_99 = vector.load %arg7[%get3A_97, %get3A_98] : memref<300x300xf32, #tpu.memory_space<vmem>>, vector<300x300xf32>
      %dot_general3A_100 = arith.constant dense<0.000000e+00> : vector<588x300xf32>
      %dot_general3A_101 = tpu.matmul %concatenate3A_90, %get3A_96, %dot_general3A_100 {dimension_numbers = #tpu.dot_dimension_numbers<[1], [0], [0], [1], [0, 0, 1, 1], [], []>, transpose_lhs_hint = false} : vector<588x300xf32>, vector<300x300xf32>, vector<588x300xf32> -> vector<588x300xf32>
      %dot_general3A_102 = arith.constant dense<0.000000e+00> : vector<588x300xf32>
      %dot_general3A_103 = tpu.matmul %concatenate3A_93, %get3A_99, %dot_general3A_102 {dimension_numbers = #tpu.dot_dimension_numbers<[1], [0], [0], [1], [0, 0, 1, 1], [], []>, transpose_lhs_hint = false} : vector<588x300xf32>, vector<300x300xf32>, vector<588x300xf32> -> vector<588x300xf32>
      %sub3A_104 = arith.subf %dot_general3A_101, %dot_general3A_103 : vector<588x300xf32>
      %dot_general3A_105 = arith.constant dense<0.000000e+00> : vector<588x300xf32>
      %dot_general3A_106 = tpu.matmul %concatenate3A_90, %get3A_99, %dot_general3A_105 {dimension_numbers = #tpu.dot_dimension_numbers<[1], [0], [0], [1], [0, 0, 1, 1], [], []>, transpose_lhs_hint = false} : vector<588x300xf32>, vector<300x300xf32>, vector<588x300xf32> -> vector<588x300xf32>
      %dot_general3A_107 = arith.constant dense<0.000000e+00> : vector<588x300xf32>
      %dot_general3A_108 = tpu.matmul %concatenate3A_93, %get3A_96, %dot_general3A_107 {dimension_numbers = #tpu.dot_dimension_numbers<[1], [0], [0], [1], [0, 0, 1, 1], [], []>, transpose_lhs_hint = false} : vector<588x300xf32>, vector<300x300xf32>, vector<588x300xf32> -> vector<588x300xf32>
      %add3A_109 = arith.addf %dot_general3A_106, %dot_general3A_108 : vector<588x300xf32>
      %mul3A_110 = arith.mulf %sub3A_104, %cos3A : vector<588x300xf32>
      %mul3A_111 = arith.mulf %add3A_109, %mul3A_51 : vector<588x300xf32>
      %sub3A_112 = arith.subf %mul3A_110, %mul3A_111 : vector<588x300xf32>
      %mul3A_113 = arith.mulf %sub3A_104, %mul3A_51 : vector<588x300xf32>
      %mul3A_114 = arith.mulf %add3A_109, %cos3A : vector<588x300xf32>
      %add3A_115 = arith.addf %mul3A_113, %mul3A_114 : vector<588x300xf32>
      %get3A_116 = arith.constant 0 : index
      %get3A_117 = arith.constant 0 : index
      %get3A_118 = vector.load %arg6[%get3A_116, %get3A_117] : memref<300x300xf32, #tpu.memory_space<vmem>>, vector<300x300xf32>
      %get3A_119 = arith.constant 0 : index
      %get3A_120 = arith.constant 0 : index
      %get3A_121 = vector.load %arg7[%get3A_119, %get3A_120] : memref<300x300xf32, #tpu.memory_space<vmem>>, vector<300x300xf32>
      %dot_general3A_122 = arith.constant dense<0.000000e+00> : vector<588x300xf32>
      %dot_general3A_123 = tpu.matmul %sub3A_112, %get3A_118, %dot_general3A_122 {dimension_numbers = #tpu.dot_dimension_numbers<[1], [0], [0], [1], [0, 0, 1, 1], [], []>, transpose_lhs_hint = false} : vector<588x300xf32>, vector<300x300xf32>, vector<588x300xf32> -> vector<588x300xf32>
      %dot_general3A_124 = arith.constant dense<0.000000e+00> : vector<588x300xf32>
      %dot_general3A_125 = tpu.matmul %add3A_115, %get3A_121, %dot_general3A_124 {dimension_numbers = #tpu.dot_dimension_numbers<[1], [0], [0], [1], [0, 0, 1, 1], [], []>, transpose_lhs_hint = false} : vector<588x300xf32>, vector<300x300xf32>, vector<588x300xf32> -> vector<588x300xf32>
      %add3A_126 = arith.addf %dot_general3A_123, %dot_general3A_125 : vector<588x300xf32>
      %dot_general3A_127 = arith.constant dense<0.000000e+00> : vector<588x300xf32>
      %dot_general3A_128 = tpu.matmul %add3A_115, %get3A_118, %dot_general3A_127 {dimension_numbers = #tpu.dot_dimension_numbers<[1], [0], [0], [1], [0, 0, 1, 1], [], []>, transpose_lhs_hint = false} : vector<588x300xf32>, vector<300x300xf32>, vector<588x300xf32> -> vector<588x300xf32>
      %dot_general3A_129 = arith.constant dense<0.000000e+00> : vector<588x300xf32>
      %dot_general3A_130 = tpu.matmul %sub3A_112, %get3A_121, %dot_general3A_129 {dimension_numbers = #tpu.dot_dimension_numbers<[1], [0], [0], [1], [0, 0, 1, 1], [], []>, transpose_lhs_hint = false} : vector<588x300xf32>, vector<300x300xf32>, vector<588x300xf32> -> vector<588x300xf32>
      %sub3A_131 = arith.subf %dot_general3A_128, %dot_general3A_130 : vector<588x300xf32>
      %get3A_132 = arith.constant 0 : index
      %get3A_133 = arith.constant 0 : index
      %get3A_134 = vector.load %arg12[%get3A_132, %get3A_133] : memref<588x300xf32, #tpu.memory_space<vmem>>, vector<588x300xf32>
      %mul3A_135 = arith.mulf %add3A_126, %get3A_134 : vector<588x300xf32>
      %get3A_136 = arith.constant 0 : index
      %get3A_137 = arith.constant 0 : index
      %get3A_138 = vector.load %arg13[%get3A_136, %get3A_137] : memref<588x300xf32, #tpu.memory_space<vmem>>, vector<588x300xf32>
      %mul3A_139 = arith.mulf %sub3A_131, %get3A_138 : vector<588x300xf32>
      %add3A_140 = arith.addf %mul3A_135, %mul3A_139 : vector<588x300xf32>
      %get3A_141 = arith.constant 0 : index
      %get3A_142 = arith.constant 0 : index
      %get3A_143 = vector.load %arg12[%get3A_141, %get3A_142] : memref<588x300xf32, #tpu.memory_space<vmem>>, vector<588x300xf32>
      %mul3A_144 = arith.mulf %sub3A_131, %get3A_143 : vector<588x300xf32>
      %get3A_145 = arith.constant 0 : index
      %get3A_146 = arith.constant 0 : index
      %get3A_147 = vector.load %arg13[%get3A_145, %get3A_146] : memref<588x300xf32, #tpu.memory_space<vmem>>, vector<588x300xf32>
      %mul3A_148 = arith.mulf %add3A_126, %get3A_147 : vector<588x300xf32>
      %sub3A_149 = arith.subf %mul3A_144, %mul3A_148 : vector<588x300xf32>
      %slice3A_150 = vector.extract_strided_slice %add3A_140 {offsets = [0, 0], sizes = [294, 300], strides = [1, 1]} : vector<588x300xf32> to vector<294x300xf32>
      %slice3A_151 = vector.extract_strided_slice %add3A_140 {offsets = [294, 0], sizes = [294, 300], strides = [1, 1]} : vector<588x300xf32> to vector<294x300xf32>
      %concatenate3A_152 = tpu.concatenate %slice3A_150, %slice3A_151 in 1 : vector<294x300xf32>, vector<294x300xf32> -> vector<294x600xf32>
      %slice3A_153 = vector.extract_strided_slice %sub3A_149 {offsets = [0, 0], sizes = [294, 300], strides = [1, 1]} : vector<588x300xf32> to vector<294x300xf32>
      %slice3A_154 = vector.extract_strided_slice %sub3A_149 {offsets = [294, 0], sizes = [294, 300], strides = [1, 1]} : vector<588x300xf32> to vector<294x300xf32>
      %concatenate3A_155 = tpu.concatenate %slice3A_153, %slice3A_154 in 1 : vector<294x300xf32>, vector<294x300xf32> -> vector<294x600xf32>
      %get3A_156 = arith.constant 0 : index
      %get3A_157 = arith.constant 0 : index
      %get3A_158 = vector.load %arg4[%get3A_156, %get3A_157] : memref<294x294xf32, #tpu.memory_space<vmem>>, vector<294x294xf32>
      %dot_general3A_159 = arith.constant dense<0.000000e+00> : vector<294x600xf32>
      %dot_general3A_160 = tpu.matmul %get3A_158, %concatenate3A_152, %dot_general3A_159 {dimension_numbers = #tpu.dot_dimension_numbers<[1], [0], [0], [1], [0, 0, 1, 1], [], []>, transpose_lhs_hint = false} : vector<294x294xf32>, vector<294x600xf32>, vector<294x600xf32> -> vector<294x600xf32>
      %get3A_161 = arith.constant 0 : index
      %get3A_162 = arith.constant 0 : index
      %get3A_163 = vector.load %arg5[%get3A_161, %get3A_162] : memref<294x294xf32, #tpu.memory_space<vmem>>, vector<294x294xf32>
      %dot_general3A_164 = arith.constant dense<0.000000e+00> : vector<294x600xf32>
      %dot_general3A_165 = tpu.matmul %get3A_163, %concatenate3A_155, %dot_general3A_164 {dimension_numbers = #tpu.dot_dimension_numbers<[1], [0], [0], [1], [0, 0, 1, 1], [], []>, transpose_lhs_hint = false} : vector<294x294xf32>, vector<294x600xf32>, vector<294x600xf32> -> vector<294x600xf32>
      %add3A_166 = arith.addf %dot_general3A_160, %dot_general3A_165 : vector<294x600xf32>
      %mul3A_167 = arith.constant 1.13378683E-5 : f32
      %mul3A_168 = vector.broadcast %mul3A_167 : f32 to vector<294x600xf32>
      %mul3A_169 = arith.mulf %add3A_166, %mul3A_168 : vector<294x600xf32>
      %get3A_170 = arith.constant 0 : index
      %get3A_171 = arith.constant 0 : index
      %get3A_172 = arith.constant 0 : index
      %get3A_173 = arith.constant 0 : index
      %get3A_174 = vector.load %arg1[%get3A_170, %get3A_171, %get3A_172, %get3A_173] : memref<1x2x294x300xf32, #tpu.memory_space<vmem>>, vector<1x1x294x300xf32>
      %get3A_175 = vector.shape_cast %get3A_174 : vector<1x1x294x300xf32> to vector<294x300xf32>
      %get3A_176 = arith.constant 0 : index
      %get3A_177 = arith.constant 1 : index
      %get3A_178 = arith.constant 0 : index
      %get3A_179 = arith.constant 0 : index
      %get3A_180 = vector.load %arg1[%get3A_176, %get3A_177, %get3A_178, %get3A_179] : memref<1x2x294x300xf32, #tpu.memory_space<vmem>>, vector<1x1x294x300xf32>
      %get3A_181 = vector.shape_cast %get3A_180 : vector<1x1x294x300xf32> to vector<294x300xf32>
      %concatenate3A_182 = tpu.concatenate %get3A_175, %get3A_181 in 1 : vector<294x300xf32>, vector<294x300xf32> -> vector<294x600xf32>
      %sub3A_183 = arith.constant 1.000000e+00 : f32
      %sub3A_184 = arith.subf %sub3A_183, %get3A_43 : f32
      %mul3A_185 = vector.broadcast %sub3A_184 : f32 to vector<294x600xf32>
      %mul3A_186 = arith.mulf %mul3A_185, %concatenate3A_182 : vector<294x600xf32>
      %mul3A_187 = vector.broadcast %get3A_43 : f32 to vector<294x600xf32>
      %mul3A_188 = arith.mulf %mul3A_187, %mul3A_169 : vector<294x600xf32>
      %add3A_189 = arith.addf %mul3A_186, %mul3A_188 : vector<294x600xf32>
      %slice3A_190 = vector.extract_strided_slice %add3A_189 {offsets = [0, 0], sizes = [294, 300], strides = [1, 1]} : vector<294x600xf32> to vector<294x300xf32>
      %swap3A = arith.constant 0 : index
      %swap3A_191 = arith.constant 0 : index
      %swap3A_192 = arith.constant 0 : index
      %swap3A_193 = arith.constant 0 : index
      %swap3A_194 = vector.load %arg21[%swap3A, %swap3A_191, %swap3A_192, %swap3A_193] : memref<1x2x294x300xf32, #tpu.memory_space<vmem>>, vector<1x1x294x300xf32>
      %swap3A_195 = vector.shape_cast %swap3A_194 : vector<1x1x294x300xf32> to vector<294x300xf32>
      %swap3A_196 = vector.shape_cast %slice3A_190 : vector<294x300xf32> to vector<1x1x294x300xf32>
      tpu.vector_store %arg21[%swap3A, %swap3A_191, %swap3A_192, %swap3A_193], %swap3A_196 {strides = array<i32>} : memref<1x2x294x300xf32, #tpu.memory_space<vmem>>, vector<1x1x294x300xf32>,
      %slice3A_197 = vector.extract_strided_slice %add3A_189 {offsets = [0, 300], sizes = [294, 300], strides = [1, 1]} : vector<294x600xf32> to vector<294x300xf32>
      %swap3A_198 = arith.constant 0 : index
      %swap3A_199 = arith.constant 1 : index
      %swap3A_200 = arith.constant 0 : index
      %swap3A_201 = arith.constant 0 : index
      %swap3A_202 = vector.load %arg21[%swap3A_198, %swap3A_199, %swap3A_200, %swap3A_201] : memref<1x2x294x300xf32, #tpu.memory_space<vmem>>, vector<1x1x294x300xf32>
      %swap3A_203 = vector.shape_cast %swap3A_202 : vector<1x1x294x300xf32> to vector<294x300xf32>
      %swap3A_204 = vector.shape_cast %slice3A_197 : vector<294x300xf32> to vector<1x1x294x300xf32>
      tpu.vector_store %arg21[%swap3A_198, %swap3A_199, %swap3A_200, %swap3A_201], %swap3A_204 {strides = array<i32>} : memref<1x2x294x300xf32, #tpu.memory_space<vmem>>, vector<1x1x294x300xf32>,
    } else {
    }
    %eq3A_33 = arith.constant 7 : i32
    %eq3A_34 = arith.cmpi eq, %get3A_0, %eq3A_33 : i32
    %convert_element_type3A_35 = arith.extui %eq3A_34 : i1 to i32
    %cond3A_36 = arith.constant 0 : i32
    %cond3A_37 = arith.cmpi ne, %convert_element_type3A_35, %cond3A_36 : i32
    scf.if %cond3A_37 {
      %get3A_38 = arith.index_cast %arg0 : i32 to index
      %get3A_39 = arith.constant 15 : index
      %get3A_40 = memref.load %arg2[%get3A_38, %get3A_39] : memref<32x17xf32, #tpu.memory_space<smem>>
      %get3A_41 = arith.index_cast %arg0 : i32 to index
      %get3A_42 = arith.constant 16 : index
      %get3A_43 = memref.load %arg2[%get3A_41, %get3A_42] : memref<32x17xf32, #tpu.memory_space<smem>>
      %get3A_44 = arith.constant 0 : index
      %get3A_45 = arith.constant 0 : index
      %get3A_46 = vector.load %arg19[%get3A_44, %get3A_45] : memref<294x300xf32, #tpu.memory_space<vmem>>, vector<294x300xf32>
      %get3A_47 = arith.constant 0 : index
      %get3A_48 = arith.constant 0 : index
      %get3A_49 = vector.load %arg20[%get3A_47, %get3A_48] : memref<294x300xf32, #tpu.memory_space<vmem>>, vector<294x300xf32>
      %neg3A = arith.constant 0.000000e+00 : f32
      %neg3A_50 = vector.broadcast %neg3A : f32 to vector<294x300xf32>
      %neg3A_51 = arith.subf %neg3A_50, %get3A_49 : vector<294x300xf32>
      %div3A = vector.broadcast %get3A_40 : f32 to vector<294x300xf32>
      %div3A_52 = arith.divf %neg3A_51, %div3A : vector<294x300xf32>
      %exp3A = math.exp %div3A_52 : vector<294x300xf32>
      %mul3A = arith.mulf %get3A_46, %exp3A : vector<294x300xf32>
      %mul3A_53 = arith.mulf %mul3A, %mul3A : vector<294x300xf32>
      %reduce_sum3A = vector.shape_cast %mul3A_53 : vector<294x300xf32> to vector<1x294x300xf32>
      %reduce_sum3A_54 = arith.constant dense<0.000000e+00> : vector<1xf32>
      %reduce_sum3A_55 = vector.multi_reduction <add>, %reduce_sum3A, %reduce_sum3A_54 [1, 2] : vector<1x294x300xf32> to vector<1xf32>
      %reduce_sum3A_56 = vector.shape_cast %reduce_sum3A_55 : vector<1xf32> to vector<1x1x1xf32>
      %reduce_sum3A_57 = vector.extract %reduce_sum3A_56[0, 0, 0] : f32 from vector<1x1x1xf32>
      %broadcast_in_dim3A = vector.broadcast %reduce_sum3A_57 : f32 to vector<294x300xf32>
      %sqrt3A = math.sqrt %broadcast_in_dim3A : vector<294x300xf32>
      %add3A = arith.constant 9.99999997E-7 : f32
      %add3A_58 = vector.broadcast %add3A : f32 to vector<294x300xf32>
      %add3A_59 = arith.addf %sqrt3A, %add3A_58 : vector<294x300xf32>
      %div3A_60 = arith.divf %mul3A, %add3A_59 : vector<294x300xf32>
      %get3A_61 = arith.constant 0 : index
      %get3A_62 = arith.constant 0 : index
      %get3A_63 = vector.load %arg4[%get3A_61, %get3A_62] : memref<294x294xf32, #tpu.memory_space<vmem>>, vector<294x294xf32>
      %dot_general3A = arith.constant dense<0.000000e+00> : vector<294x300xf32>
      %dot_general3A_64 = tpu.matmul %get3A_63, %div3A_60, %dot_general3A {dimension_numbers = #tpu.dot_dimension_numbers<[1], [0], [0], [1], [0, 0, 1, 1], [], []>, transpose_lhs_hint = false} : vector<294x294xf32>, vector<294x300xf32>, vector<294x300xf32> -> vector<294x300xf32>
      %get3A_65 = arith.constant 0 : index
      %get3A_66 = arith.constant 0 : index
      %get3A_67 = vector.load %arg5[%get3A_65, %get3A_66] : memref<294x294xf32, #tpu.memory_space<vmem>>, vector<294x294xf32>
      %dot_general3A_68 = arith.constant dense<0.000000e+00> : vector<294x300xf32>
      %dot_general3A_69 = tpu.matmul %get3A_67, %div3A_60, %dot_general3A_68 {dimension_numbers = #tpu.dot_dimension_numbers<[1], [0], [0], [1], [0, 0, 1, 1], [], []>, transpose_lhs_hint = false} : vector<294x294xf32>, vector<294x300xf32>, vector<294x300xf32> -> vector<294x300xf32>
      %get3A_70 = arith.constant 0 : index
      %get3A_71 = arith.constant 0 : index
      %get3A_72 = vector.load %arg8[%get3A_70, %get3A_71] : memref<294x300xf32, #tpu.memory_space<vmem>>, vector<294x300xf32>
      %mul3A_73 = arith.mulf %dot_general3A_64, %get3A_72 : vector<294x300xf32>
      %get3A_74 = arith.constant 0 : index
      %get3A_75 = arith.constant 0 : index
      %get3A_76 = vector.load %arg9[%get3A_74, %get3A_75] : memref<294x300xf32, #tpu.memory_space<vmem>>, vector<294x300xf32>
      %mul3A_77 = arith.mulf %dot_general3A_69, %get3A_76 : vector<294x300xf32>
      %sub3A = arith.subf %mul3A_73, %mul3A_77 : vector<294x300xf32>
      %get3A_78 = arith.constant 0 : index
      %get3A_79 = arith.constant 0 : index
      %get3A_80 = vector.load %arg9[%get3A_78, %get3A_79] : memref<294x300xf32, #tpu.memory_space<vmem>>, vector<294x300xf32>
      %mul3A_81 = arith.mulf %dot_general3A_64, %get3A_80 : vector<294x300xf32>
      %get3A_82 = arith.constant 0 : index
      %get3A_83 = arith.constant 0 : index
      %get3A_84 = vector.load %arg8[%get3A_82, %get3A_83] : memref<294x300xf32, #tpu.memory_space<vmem>>, vector<294x300xf32>
      %mul3A_85 = arith.mulf %dot_general3A_69, %get3A_84 : vector<294x300xf32>
      %add3A_86 = arith.addf %mul3A_81, %mul3A_85 : vector<294x300xf32>
      %get3A_87 = arith.constant 0 : index
      %get3A_88 = arith.constant 0 : index
      %get3A_89 = vector.load %arg6[%get3A_87, %get3A_88] : memref<300x300xf32, #tpu.memory_space<vmem>>, vector<300x300xf32>
      %get3A_90 = arith.constant 0 : index
      %get3A_91 = arith.constant 0 : index
      %get3A_92 = vector.load %arg7[%get3A_90, %get3A_91] : memref<300x300xf32, #tpu.memory_space<vmem>>, vector<300x300xf32>
      %dot_general3A_93 = arith.constant dense<0.000000e+00> : vector<294x300xf32>
      %dot_general3A_94 = tpu.matmul %sub3A, %get3A_89, %dot_general3A_93 {dimension_numbers = #tpu.dot_dimension_numbers<[1], [0], [0], [1], [0, 0, 1, 1], [], []>, transpose_lhs_hint = false} : vector<294x300xf32>, vector<300x300xf32>, vector<294x300xf32> -> vector<294x300xf32>
      %dot_general3A_95 = arith.constant dense<0.000000e+00> : vector<294x300xf32>
      %dot_general3A_96 = tpu.matmul %add3A_86, %get3A_92, %dot_general3A_95 {dimension_numbers = #tpu.dot_dimension_numbers<[1], [0], [0], [1], [0, 0, 1, 1], [], []>, transpose_lhs_hint = false} : vector<294x300xf32>, vector<300x300xf32>, vector<294x300xf32> -> vector<294x300xf32>
      %sub3A_97 = arith.subf %dot_general3A_94, %dot_general3A_96 : vector<294x300xf32>
      %dot_general3A_98 = arith.constant dense<0.000000e+00> : vector<294x300xf32>
      %dot_general3A_99 = tpu.matmul %sub3A, %get3A_92, %dot_general3A_98 {dimension_numbers = #tpu.dot_dimension_numbers<[1], [0], [0], [1], [0, 0, 1, 1], [], []>, transpose_lhs_hint = false} : vector<294x300xf32>, vector<300x300xf32>, vector<294x300xf32> -> vector<294x300xf32>
      %dot_general3A_100 = arith.constant dense<0.000000e+00> : vector<294x300xf32>
      %dot_general3A_101 = tpu.matmul %add3A_86, %get3A_89, %dot_general3A_100 {dimension_numbers = #tpu.dot_dimension_numbers<[1], [0], [0], [1], [0, 0, 1, 1], [], []>, transpose_lhs_hint = false} : vector<294x300xf32>, vector<300x300xf32>, vector<294x300xf32> -> vector<294x300xf32>
      %add3A_102 = arith.addf %dot_general3A_99, %dot_general3A_101 : vector<294x300xf32>
      %concatenate3A = tpu.concatenate %sub3A_97, %sub3A_97 in 0 : vector<294x300xf32>, vector<294x300xf32> -> vector<588x300xf32>
      %concatenate3A_103 = tpu.concatenate %add3A_102, %add3A_102 in 0 : vector<294x300xf32>, vector<294x300xf32> -> vector<588x300xf32>
      %get3A_104 = arith.constant 0 : index
      %get3A_105 = arith.constant 0 : index
      %get3A_106 = arith.constant 0 : index
      %get3A_107 = arith.constant 0 : index
      %get3A_108 = vector.load %arg1[%get3A_104, %get3A_105, %get3A_106, %get3A_107] : memref<1x2x294x300xf32, #tpu.memory_space<vmem>>, vector<1x1x294x300xf32>
      %get3A_109 = vector.shape_cast %get3A_108 : vector<1x1x294x300xf32> to vector<294x300xf32>
      %get3A_110 = arith.constant 0 : index
      %get3A_111 = arith.constant 1 : index
      %get3A_112 = arith.constant 0 : index
      %get3A_113 = arith.constant 0 : index
      %get3A_114 = vector.load %arg1[%get3A_110, %get3A_111, %get3A_112, %get3A_113] : memref<1x2x294x300xf32, #tpu.memory_space<vmem>>, vector<1x1x294x300xf32>
      %get3A_115 = vector.shape_cast %get3A_114 : vector<1x1x294x300xf32> to vector<294x300xf32>
      %concatenate3A_116 = tpu.concatenate %get3A_109, %get3A_115 in 1 : vector<294x300xf32>, vector<294x300xf32> -> vector<294x600xf32>
      %get3A_117 = arith.constant 0 : index
      %get3A_118 = arith.constant 0 : index
      %get3A_119 = vector.load %arg4[%get3A_117, %get3A_118] : memref<294x294xf32, #tpu.memory_space<vmem>>, vector<294x294xf32>
      %dot_general3A_120 = arith.constant dense<0.000000e+00> : vector<294x600xf32>
      %dot_general3A_121 = tpu.matmul %get3A_119, %concatenate3A_116, %dot_general3A_120 {dimension_numbers = #tpu.dot_dimension_numbers<[1], [0], [0], [1], [0, 0, 1, 1], [], []>, transpose_lhs_hint = false} : vector<294x294xf32>, vector<294x600xf32>, vector<294x600xf32> -> vector<294x600xf32>
      %get3A_122 = arith.constant 0 : index
      %get3A_123 = arith.constant 0 : index
      %get3A_124 = vector.load %arg5[%get3A_122, %get3A_123] : memref<294x294xf32, #tpu.memory_space<vmem>>, vector<294x294xf32>
      %dot_general3A_125 = arith.constant dense<0.000000e+00> : vector<294x600xf32>
      %dot_general3A_126 = tpu.matmul %get3A_124, %concatenate3A_116, %dot_general3A_125 {dimension_numbers = #tpu.dot_dimension_numbers<[1], [0], [0], [1], [0, 0, 1, 1], [], []>, transpose_lhs_hint = false} : vector<294x294xf32>, vector<294x600xf32>, vector<294x600xf32> -> vector<294x600xf32>
      %get3A_127 = arith.constant 0 : index
      %get3A_128 = arith.constant 0 : index
      %get3A_129 = vector.load %arg10[%get3A_127, %get3A_128] : memref<294x600xf32, #tpu.memory_space<vmem>>, vector<294x600xf32>
      %mul3A_130 = arith.mulf %dot_general3A_121, %get3A_129 : vector<294x600xf32>
      %get3A_131 = arith.constant 0 : index
      %get3A_132 = arith.constant 0 : index
      %get3A_133 = vector.load %arg11[%get3A_131, %get3A_132] : memref<294x600xf32, #tpu.memory_space<vmem>>, vector<294x600xf32>
      %mul3A_134 = arith.mulf %dot_general3A_126, %get3A_133 : vector<294x600xf32>
      %sub3A_135 = arith.subf %mul3A_130, %mul3A_134 : vector<294x600xf32>
      %get3A_136 = arith.constant 0 : index
      %get3A_137 = arith.constant 0 : index
      %get3A_138 = vector.load %arg11[%get3A_136, %get3A_137] : memref<294x600xf32, #tpu.memory_space<vmem>>, vector<294x600xf32>
      %mul3A_139 = arith.mulf %dot_general3A_121, %get3A_138 : vector<294x600xf32>
      %get3A_140 = arith.constant 0 : index
      %get3A_141 = arith.constant 0 : index
      %get3A_142 = vector.load %arg10[%get3A_140, %get3A_141] : memref<294x600xf32, #tpu.memory_space<vmem>>, vector<294x600xf32>
      %mul3A_143 = arith.mulf %dot_general3A_126, %get3A_142 : vector<294x600xf32>
      %add3A_144 = arith.addf %mul3A_139, %mul3A_143 : vector<294x600xf32>
      %slice3A = vector.extract_strided_slice %sub3A_135 {offsets = [0, 0], sizes = [294, 300], strides = [1, 1]} : vector<294x600xf32> to vector<294x300xf32>
      %slice3A_145 = vector.extract_strided_slice %sub3A_135 {offsets = [0, 300], sizes = [294, 300], strides = [1, 1]} : vector<294x600xf32> to vector<294x300xf32>
      %concatenate3A_146 = tpu.concatenate %slice3A, %slice3A_145 in 0 : vector<294x300xf32>, vector<294x300xf32> -> vector<588x300xf32>
      %slice3A_147 = vector.extract_strided_slice %add3A_144 {offsets = [0, 0], sizes = [294, 300], strides = [1, 1]} : vector<294x600xf32> to vector<294x300xf32>
      %slice3A_148 = vector.extract_strided_slice %add3A_144 {offsets = [0, 300], sizes = [294, 300], strides = [1, 1]} : vector<294x600xf32> to vector<294x300xf32>
      %concatenate3A_149 = tpu.concatenate %slice3A_147, %slice3A_148 in 0 : vector<294x300xf32>, vector<294x300xf32> -> vector<588x300xf32>
      %get3A_150 = arith.constant 0 : index
      %get3A_151 = arith.constant 0 : index
      %get3A_152 = vector.load %arg6[%get3A_150, %get3A_151] : memref<300x300xf32, #tpu.memory_space<vmem>>, vector<300x300xf32>
      %get3A_153 = arith.constant 0 : index
      %get3A_154 = arith.constant 0 : index
      %get3A_155 = vector.load %arg7[%get3A_153, %get3A_154] : memref<300x300xf32, #tpu.memory_space<vmem>>, vector<300x300xf32>
      %dot_general3A_156 = arith.constant dense<0.000000e+00> : vector<588x300xf32>
      %dot_general3A_157 = tpu.matmul %concatenate3A_146, %get3A_152, %dot_general3A_156 {dimension_numbers = #tpu.dot_dimension_numbers<[1], [0], [0], [1], [0, 0, 1, 1], [], []>, transpose_lhs_hint = false} : vector<588x300xf32>, vector<300x300xf32>, vector<588x300xf32> -> vector<588x300xf32>
      %dot_general3A_158 = arith.constant dense<0.000000e+00> : vector<588x300xf32>
      %dot_general3A_159 = tpu.matmul %concatenate3A_149, %get3A_155, %dot_general3A_158 {dimension_numbers = #tpu.dot_dimension_numbers<[1], [0], [0], [1], [0, 0, 1, 1], [], []>, transpose_lhs_hint = false} : vector<588x300xf32>, vector<300x300xf32>, vector<588x300xf32> -> vector<588x300xf32>
      %sub3A_160 = arith.subf %dot_general3A_157, %dot_general3A_159 : vector<588x300xf32>
      %dot_general3A_161 = arith.constant dense<0.000000e+00> : vector<588x300xf32>
      %dot_general3A_162 = tpu.matmul %concatenate3A_146, %get3A_155, %dot_general3A_161 {dimension_numbers = #tpu.dot_dimension_numbers<[1], [0], [0], [1], [0, 0, 1, 1], [], []>, transpose_lhs_hint = false} : vector<588x300xf32>, vector<300x300xf32>, vector<588x300xf32> -> vector<588x300xf32>
      %dot_general3A_163 = arith.constant dense<0.000000e+00> : vector<588x300xf32>
      %dot_general3A_164 = tpu.matmul %concatenate3A_149, %get3A_152, %dot_general3A_163 {dimension_numbers = #tpu.dot_dimension_numbers<[1], [0], [0], [1], [0, 0, 1, 1], [], []>, transpose_lhs_hint = false} : vector<588x300xf32>, vector<300x300xf32>, vector<588x300xf32> -> vector<588x300xf32>
      %add3A_165 = arith.addf %dot_general3A_162, %dot_general3A_164 : vector<588x300xf32>
      %mul3A_166 = arith.mulf %sub3A_160, %concatenate3A : vector<588x300xf32>
      %mul3A_167 = arith.mulf %add3A_165, %concatenate3A_103 : vector<588x300xf32>
      %sub3A_168 = arith.subf %mul3A_166, %mul3A_167 : vector<588x300xf32>
      %mul3A_169 = arith.mulf %sub3A_160, %concatenate3A_103 : vector<588x300xf32>
      %mul3A_170 = arith.mulf %add3A_165, %concatenate3A : vector<588x300xf32>
      %add3A_171 = arith.addf %mul3A_169, %mul3A_170 : vector<588x300xf32>
      %get3A_172 = arith.constant 0 : index
      %get3A_173 = arith.constant 0 : index
      %get3A_174 = vector.load %arg6[%get3A_172, %get3A_173] : memref<300x300xf32, #tpu.memory_space<vmem>>, vector<300x300xf32>
      %get3A_175 = arith.constant 0 : index
      %get3A_176 = arith.constant 0 : index
      %get3A_177 = vector.load %arg7[%get3A_175, %get3A_176] : memref<300x300xf32, #tpu.memory_space<vmem>>, vector<300x300xf32>
      %dot_general3A_178 = arith.constant dense<0.000000e+00> : vector<588x300xf32>
      %dot_general3A_179 = tpu.matmul %sub3A_168, %get3A_174, %dot_general3A_178 {dimension_numbers = #tpu.dot_dimension_numbers<[1], [0], [0], [1], [0, 0, 1, 1], [], []>, transpose_lhs_hint = false} : vector<588x300xf32>, vector<300x300xf32>, vector<588x300xf32> -> vector<588x300xf32>
      %dot_general3A_180 = arith.constant dense<0.000000e+00> : vector<588x300xf32>
      %dot_general3A_181 = tpu.matmul %add3A_171, %get3A_177, %dot_general3A_180 {dimension_numbers = #tpu.dot_dimension_numbers<[1], [0], [0], [1], [0, 0, 1, 1], [], []>, transpose_lhs_hint = false} : vector<588x300xf32>, vector<300x300xf32>, vector<588x300xf32> -> vector<588x300xf32>
      %add3A_182 = arith.addf %dot_general3A_179, %dot_general3A_181 : vector<588x300xf32>
      %dot_general3A_183 = arith.constant dense<0.000000e+00> : vector<588x300xf32>
      %dot_general3A_184 = tpu.matmul %add3A_171, %get3A_174, %dot_general3A_183 {dimension_numbers = #tpu.dot_dimension_numbers<[1], [0], [0], [1], [0, 0, 1, 1], [], []>, transpose_lhs_hint = false} : vector<588x300xf32>, vector<300x300xf32>, vector<588x300xf32> -> vector<588x300xf32>
      %dot_general3A_185 = arith.constant dense<0.000000e+00> : vector<588x300xf32>
      %dot_general3A_186 = tpu.matmul %sub3A_168, %get3A_177, %dot_general3A_185 {dimension_numbers = #tpu.dot_dimension_numbers<[1], [0], [0], [1], [0, 0, 1, 1], [], []>, transpose_lhs_hint = false} : vector<588x300xf32>, vector<300x300xf32>, vector<588x300xf32> -> vector<588x300xf32>
      %sub3A_187 = arith.subf %dot_general3A_184, %dot_general3A_186 : vector<588x300xf32>
      %get3A_188 = arith.constant 0 : index
      %get3A_189 = arith.constant 0 : index
      %get3A_190 = vector.load %arg12[%get3A_188, %get3A_189] : memref<588x300xf32, #tpu.memory_space<vmem>>, vector<588x300xf32>
      %mul3A_191 = arith.mulf %add3A_182, %get3A_190 : vector<588x300xf32>
      %get3A_192 = arith.constant 0 : index
      %get3A_193 = arith.constant 0 : index
      %get3A_194 = vector.load %arg13[%get3A_192, %get3A_193] : memref<588x300xf32, #tpu.memory_space<vmem>>, vector<588x300xf32>
      %mul3A_195 = arith.mulf %sub3A_187, %get3A_194 : vector<588x300xf32>
      %add3A_196 = arith.addf %mul3A_191, %mul3A_195 : vector<588x300xf32>
      %get3A_197 = arith.constant 0 : index
      %get3A_198 = arith.constant 0 : index
      %get3A_199 = vector.load %arg12[%get3A_197, %get3A_198] : memref<588x300xf32, #tpu.memory_space<vmem>>, vector<588x300xf32>
      %mul3A_200 = arith.mulf %sub3A_187, %get3A_199 : vector<588x300xf32>
      %get3A_201 = arith.constant 0 : index
      %get3A_202 = arith.constant 0 : index
      %get3A_203 = vector.load %arg13[%get3A_201, %get3A_202] : memref<588x300xf32, #tpu.memory_space<vmem>>, vector<588x300xf32>
      %mul3A_204 = arith.mulf %add3A_182, %get3A_203 : vector<588x300xf32>
      %sub3A_205 = arith.subf %mul3A_200, %mul3A_204 : vector<588x300xf32>
      %slice3A_206 = vector.extract_strided_slice %add3A_196 {offsets = [0, 0], sizes = [294, 300], strides = [1, 1]} : vector<588x300xf32> to vector<294x300xf32>
      %slice3A_207 = vector.extract_strided_slice %add3A_196 {offsets = [294, 0], sizes = [294, 300], strides = [1, 1]} : vector<588x300xf32> to vector<294x300xf32>
      %concatenate3A_208 = tpu.concatenate %slice3A_206, %slice3A_207 in 1 : vector<294x300xf32>, vector<294x300xf32> -> vector<294x600xf32>
      %slice3A_209 = vector.extract_strided_slice %sub3A_205 {offsets = [0, 0], sizes = [294, 300], strides = [1, 1]} : vector<588x300xf32> to vector<294x300xf32>
      %slice3A_210 = vector.extract_strided_slice %sub3A_205 {offsets = [294, 0], sizes = [294, 300], strides = [1, 1]} : vector<588x300xf32> to vector<294x300xf32>
      %concatenate3A_211 = tpu.concatenate %slice3A_209, %slice3A_210 in 1 : vector<294x300xf32>, vector<294x300xf32> -> vector<294x600xf32>
      %get3A_212 = arith.constant 0 : index
      %get3A_213 = arith.constant 0 : index
      %get3A_214 = vector.load %arg4[%get3A_212, %get3A_213] : memref<294x294xf32, #tpu.memory_space<vmem>>, vector<294x294xf32>
      %dot_general3A_215 = arith.constant dense<0.000000e+00> : vector<294x600xf32>
      %dot_general3A_216 = tpu.matmul %get3A_214, %concatenate3A_208, %dot_general3A_215 {dimension_numbers = #tpu.dot_dimension_numbers<[1], [0], [0], [1], [0, 0, 1, 1], [], []>, transpose_lhs_hint = false} : vector<294x294xf32>, vector<294x600xf32>, vector<294x600xf32> -> vector<294x600xf32>
      %get3A_217 = arith.constant 0 : index
      %get3A_218 = arith.constant 0 : index
      %get3A_219 = vector.load %arg5[%get3A_217, %get3A_218] : memref<294x294xf32, #tpu.memory_space<vmem>>, vector<294x294xf32>
      %dot_general3A_220 = arith.constant dense<0.000000e+00> : vector<294x600xf32>
      %dot_general3A_221 = tpu.matmul %get3A_219, %concatenate3A_211, %dot_general3A_220 {dimension_numbers = #tpu.dot_dimension_numbers<[1], [0], [0], [1], [0, 0, 1, 1], [], []>, transpose_lhs_hint = false} : vector<294x294xf32>, vector<294x600xf32>, vector<294x600xf32> -> vector<294x600xf32>
      %add3A_222 = arith.addf %dot_general3A_216, %dot_general3A_221 : vector<294x600xf32>
      %mul3A_223 = arith.constant 1.13378683E-5 : f32
      %mul3A_224 = vector.broadcast %mul3A_223 : f32 to vector<294x600xf32>
      %mul3A_225 = arith.mulf %add3A_222, %mul3A_224 : vector<294x600xf32>
      %get3A_226 = arith.constant 0 : index
      %get3A_227 = arith.constant 0 : index
      %get3A_228 = arith.constant 0 : index
      %get3A_229 = arith.constant 0 : index
      %get3A_230 = vector.load %arg1[%get3A_226, %get3A_227, %get3A_228, %get3A_229] : memref<1x2x294x300xf32, #tpu.memory_space<vmem>>, vector<1x1x294x300xf32>
      %get3A_231 = vector.shape_cast %get3A_230 : vector<1x1x294x300xf32> to vector<294x300xf32>
      %get3A_232 = arith.constant 0 : index
      %get3A_233 = arith.constant 1 : index
      %get3A_234 = arith.constant 0 : index
      %get3A_235 = arith.constant 0 : index
      %get3A_236 = vector.load %arg1[%get3A_232, %get3A_233, %get3A_234, %get3A_235] : memref<1x2x294x300xf32, #tpu.memory_space<vmem>>, vector<1x1x294x300xf32>
      %get3A_237 = vector.shape_cast %get3A_236 : vector<1x1x294x300xf32> to vector<294x300xf32>
      %concatenate3A_238 = tpu.concatenate %get3A_231, %get3A_237 in 1 : vector<294x300xf32>, vector<294x300xf32> -> vector<294x600xf32>
      %sub3A_239 = arith.constant 1.000000e+00 : f32
      %sub3A_240 = arith.subf %sub3A_239, %get3A_43 : f32
      %mul3A_241 = vector.broadcast %sub3A_240 : f32 to vector<294x600xf32>
      %mul3A_242 = arith.mulf %mul3A_241, %concatenate3A_238 : vector<294x600xf32>
      %mul3A_243 = vector.broadcast %get3A_43 : f32 to vector<294x600xf32>
      %mul3A_244 = arith.mulf %mul3A_243, %mul3A_225 : vector<294x600xf32>
      %add3A_245 = arith.addf %mul3A_242, %mul3A_244 : vector<294x600xf32>
      %slice3A_246 = vector.extract_strided_slice %add3A_245 {offsets = [0, 0], sizes = [294, 300], strides = [1, 1]} : vector<294x600xf32> to vector<294x300xf32>
      %swap3A = arith.constant 0 : index
      %swap3A_247 = arith.constant 0 : index
      %swap3A_248 = arith.constant 0 : index
      %swap3A_249 = arith.constant 0 : index
      %swap3A_250 = vector.load %arg21[%swap3A, %swap3A_247, %swap3A_248, %swap3A_249] : memref<1x2x294x300xf32, #tpu.memory_space<vmem>>, vector<1x1x294x300xf32>
      %swap3A_251 = vector.shape_cast %swap3A_250 : vector<1x1x294x300xf32> to vector<294x300xf32>
      %swap3A_252 = vector.shape_cast %slice3A_246 : vector<294x300xf32> to vector<1x1x294x300xf32>
      tpu.vector_store %arg21[%swap3A, %swap3A_247, %swap3A_248, %swap3A_249], %swap3A_252 {strides = array<i32>} : memref<1x2x294x300xf32, #tpu.memory_space<vmem>>, vector<1x1x294x300xf32>,
      %slice3A_253 = vector.extract_strided_slice %add3A_245 {offsets = [0, 300], sizes = [294, 300], strides = [1, 1]} : vector<294x600xf32> to vector<294x300xf32>
      %swap3A_254 = arith.constant 0 : index
      %swap3A_255 = arith.constant 1 : index
      %swap3A_256 = arith.constant 0 : index
      %swap3A_257 = arith.constant 0 : index
      %swap3A_258 = vector.load %arg21[%swap3A_254, %swap3A_255, %swap3A_256, %swap3A_257] : memref<1x2x294x300xf32, #tpu.memory_space<vmem>>, vector<1x1x294x300xf32>
      %swap3A_259 = vector.shape_cast %swap3A_258 : vector<1x1x294x300xf32> to vector<294x300xf32>
      %swap3A_260 = vector.shape_cast %slice3A_253 : vector<294x300xf32> to vector<1x1x294x300xf32>
      tpu.vector_store %arg21[%swap3A_254, %swap3A_255, %swap3A_256, %swap3A_257], %swap3A_260 {strides = array<i32>} : memref<1x2x294x300xf32, #tpu.memory_space<vmem>>, vector<1x1x294x300xf32>,
    } else {
    }
    return
  }
  func.func @transform_0(%arg0: i32) -> (i32, i32, i32, i32) {
    %c0_i32 = arith.constant 0 : i32
    %c0_i32_0 = arith.constant 0 : i32
    %c0_i32_1 = arith.constant 0 : i32
    %c0_i32_2 = arith.constant 0 : i32
    return %arg0, %c0_i32, %c0_i32_0, %c0_i32_1 : i32, i32, i32, i32
  }
  func.func @transform_1(%arg0: i32) -> (i32, i32) {
    %c0_i32 = arith.constant 0 : i32
    %c0_i32_0 = arith.constant 0 : i32
    %c0_i32_1 = arith.constant 0 : i32
    return %c0_i32, %c0_i32_0 : i32, i32
  }
  func.func @transform_2(%arg0: i32) -> i32 {
    %c0_i32 = arith.constant 0 : i32
    %c0_i32_0 = arith.constant 0 : i32
    return %c0_i32 : i32
  }
  func.func @transform_3(%arg0: i32) -> (i32, i32) {
    %c0_i32 = arith.constant 0 : i32
    %c0_i32_0 = arith.constant 0 : i32
    %c0_i32_1 = arith.constant 0 : i32
    return %c0_i32, %c0_i32_0 : i32, i32
  }
  func.func @transform_4(%arg0: i32) -> (i32, i32) {
    %c0_i32 = arith.constant 0 : i32
    %c0_i32_0 = arith.constant 0 : i32
    %c0_i32_1 = arith.constant 0 : i32
    return %c0_i32, %c0_i32_0 : i32, i32
  }
  func.func @transform_5(%arg0: i32) -> (i32, i32) {
    %c0_i32 = arith.constant 0 : i32
    %c0_i32_0 = arith.constant 0 : i32
    %c0_i32_1 = arith.constant 0 : i32
    return %c0_i32, %c0_i32_0 : i32, i32
  }
  func.func @transform_6(%arg0: i32) -> (i32, i32) {
    %c0_i32 = arith.constant 0 : i32
    %c0_i32_0 = arith.constant 0 : i32
    %c0_i32_1 = arith.constant 0 : i32
    return %c0_i32, %c0_i32_0 : i32, i32
  }
  func.func @transform_7(%arg0: i32) -> (i32, i32) {
    %c0_i32 = arith.constant 0 : i32
    %c0_i32_0 = arith.constant 0 : i32
    %c0_i32_1 = arith.constant 0 : i32
    return %c0_i32, %c0_i32_0 : i32, i32
  }
  func.func @transform_8(%arg0: i32) -> (i32, i32) {
    %c0_i32 = arith.constant 0 : i32
    %c0_i32_0 = arith.constant 0 : i32
    %c0_i32_1 = arith.constant 0 : i32
    return %c0_i32, %c0_i32_0 : i32, i32
  }
  func.func @transform_9(%arg0: i32) -> (i32, i32) {
    %c0_i32 = arith.constant 0 : i32
    %c0_i32_0 = arith.constant 0 : i32
    %c0_i32_1 = arith.constant 0 : i32
    return %c0_i32, %c0_i32_0 : i32, i32
  }
  func.func @transform_10(%arg0: i32) -> (i32, i32) {
    %c0_i32 = arith.constant 0 : i32
    %c0_i32_0 = arith.constant 0 : i32
    %c0_i32_1 = arith.constant 0 : i32
    return %c0_i32, %c0_i32_0 : i32, i32
  }
  func.func @transform_11(%arg0: i32) -> (i32, i32) {
    %c0_i32 = arith.constant 0 : i32
    %c0_i32_0 = arith.constant 0 : i32
    %c0_i32_1 = arith.constant 0 : i32
    return %c0_i32, %c0_i32_0 : i32, i32
  }
  func.func @transform_12(%arg0: i32) -> (i32, i32) {
    %c0_i32 = arith.constant 0 : i32
    %c0_i32_0 = arith.constant 0 : i32
    %c0_i32_1 = arith.constant 0 : i32
    return %c0_i32, %c0_i32_0 : i32, i32
  }
  func.func @transform_13(%arg0: i32) -> (i32, i32) {
    %c0_i32 = arith.constant 0 : i32
    %c0_i32_0 = arith.constant 0 : i32
    %c0_i32_1 = arith.constant 0 : i32
    return %c0_i32, %c0_i32_0 : i32, i32
  }
  func.func @transform_14(%arg0: i32) -> (i32, i32) {
    %c0_i32 = arith.constant 0 : i32
    %c0_i32_0 = arith.constant 0 : i32
    %c0_i32_1 = arith.constant 0 : i32
    return %c0_i32, %c0_i32_0 : i32, i32
  }
  func.func @transform_15(%arg0: i32) -> (i32, i32) {
    %c0_i32 = arith.constant 0 : i32
    %c0_i32_0 = arith.constant 0 : i32
    %c0_i32_1 = arith.constant 0 : i32
    return %c0_i32, %c0_i32_0 : i32, i32
  }
  func.func @transform_16(%arg0: i32) -> (i32, i32) {
    %c0_i32 = arith.constant 0 : i32
    %c0_i32_0 = arith.constant 0 : i32
    %c0_i32_1 = arith.constant 0 : i32
    return %c0_i32, %c0_i32_0 : i32, i32
  }
  func.func @transform_17(%arg0: i32) -> (i32, i32) {
    %c0_i32 = arith.constant 0 : i32
    %c0_i32_0 = arith.constant 0 : i32
    %c0_i32_1 = arith.constant 0 : i32
    return %c0_i32, %c0_i32_0 : i32, i32
  }
  func.func @transform_18(%arg0: i32) -> (i32, i32) {
    %c0_i32 = arith.constant 0 : i32
    %c0_i32_0 = arith.constant 0 : i32
    %c0_i32_1 = arith.constant 0 : i32
    return %c0_i32, %c0_i32_0 : i32, i32
  }
  func.func @transform_19(%arg0: i32) -> (i32, i32) {
    %c0_i32 = arith.constant 0 : i32
    %c0_i32_0 = arith.constant 0 : i32
    %c0_i32_1 = arith.constant 0 : i32
    return %c0_i32, %c0_i32_0 : i32, i32
  }
  func.func @transform_20(%arg0: i32) -> (i32, i32, i32, i32) {
    %c0_i32 = arith.constant 0 : i32
    %c0_i32_0 = arith.constant 0 : i32
    %c0_i32_1 = arith.constant 0 : i32
    %c0_i32_2 = arith.constant 0 : i32
    return %arg0, %c0_i32, %c0_i32_0, %c0_i32_1 : i32, i32, i32, i32
  }
}

</mosaic_0001>

<sc_bundles>
// kernel: gather_offload_async_start.1
scs
__scs_entry_jumppad:
0x0: {  	(pc) =	sbr.rel $0x88, $3  }
0x1: {  	(tag) =	ssettag $0x0;
	lr =	simm.s32 $0x1  }
0x2: {  	[smem:$0x3F9E] =	sst lr;
	_ =	strace $0xD0000000  }
0x3: {  	_ = 	snop  }
0x4: {  	_ = 	snop  }
0x5: {  	_ = 	snop  }
0x6: {  	_ = 	snop  }
0x7: {  	_ = 	snop  }
__scs_overlays_trampoline_lowered:
0x8: {  	[smem:$0x3FAD] =	sst s0  }
0x9: {  	[smem:$0x3FAE] =	sst s1  }
0xa: {  	[smem:$0x3FAF] =	sst s2  }
0xb: {  	[smem:$0x3FB0] =	sst s3  }
0xc: {  	[smem:$0x3FB1] =	sst s4  }
0xd: {  	[smem:$0x3FB2] =	sst s5  }
0xe: {  	[smem:$0x3FB3] =	sst s6  }
0xf: {  	[smem:$0x3FB4] =	sst s7  }
0x10: {  	[smem:$0x3FB5] =	sst s8  }
0x11: {  	[smem:$0x3FB6] =	sst s9;
	s0 =	simm.s32 @!p0 $0x0  }
0x12: {  	s1 =	sld [smem:$0x3F9C];
	s0 =	simm.s32 @p0 $0x1  }
0x13: {  	[smem:$0x3FB7] =	sst s0;
	s0 =	simm.s32 @!p1 $0x0  }
0x14: {  	s2 =	sld [smem:$0x3F9B];
	s0 =	simm.s32 @p1 $0x1  }
0x15: {  	[smem:$0x3FB8] =	sst s0;
	s0 =	simm.s32 @!p2 $0x0  }
0x16: {  	s3 =	sld [smem:$0x3FDB];
	s0 =	simm.s32 @p2 $0x1  }
0x17: {  	s4 =	simm.s32 $0x1BF5;
	[smem:$0x3FBA] =	sst s0  }
0x18: {  	s0 =	sld [smem:$0x3F9D];
	_ =	swait.ge [sflag:s4], $0x0  }
0x19: {  	s7 =	sld [smem:$0x3F9E]  }
0x1a: {  	s8 =	sadd.s32 $0xFFFFE003, lr  }
0x1b: {  	s9 =	sadd.s32 $0xFFFFFEF7, lr;
	s5 =	simm.s32 $0xFFFFFFFF;
	p2 =	slt.u32 s8, $0xFFFFF086  }
0x1c: {  	p1 =	slt.u32 s9, $0xF7A;
	s5 =	simm.s32 @!p2 $0x0  }
0x1d: {  	s5 =	simm.s32 @p1 $0x1;
	p0 =	seq.s32 s7, s2  }
0x1e: {  	s7 =	smul.u32 @!p0 $0xF7A, s2;
	p2 =	seq.s32 @!p0 s5, $0x0  }
0x1f: {  	s9 =	smul.u32 $0xF7A, s1;
	s8 =	simm.s32 @!p0 $0x1BF5;
	p2 =	por !p2, p0  }
0x20: {  	[sflag:s8] =	ssyncset.s32 @!p0 $0xFFFFF086;
	s6 =	sadd.s32 @!p0 s3, s7;
	s7 =	simm.s32 @!p0 $0x108  }
0x21: {  	s3 =	sadd.s32 s3, s9;
	s6 =	sadd.s32 @!p0 $0x88, s6;
	s7 =	simm.s32 @p2 $0x1082  }
0x22: {  	[simem:s7], [sflag:s8] =	dma.local @!p0 [hbm:s6], $0xF7A  }
0x23: {  	s9 =	sor.u32 $0xD0000000, s2;
	s6 =	simm.s32 $0x108;
	_ =	swait.ge @!p0 [sflag:s8], $0x0  }
0x24: {  	s3 =	sadd.s32 $0x88, s3;
	s6 =	simm.s32 @!p1 $0x1082;
	[sflag:s4] =	ssyncset.s32 $0xFFFFF086  }
0x25: {  	[simem:s6], [sflag:s4] =	dma.local [hbm:s3], $0xF7A  }
0x26: {  	[smem:$0x3F9E] =	sst s1;
	(tag) =	ssettag s2;
	_ =	strace s9  }
0x27: {  	s1 =	sld [smem:$0x3FAE]  }
0x28: {  	s2 =	sld [smem:$0x3FAF]  }
0x29: {  	s4 =	sld [smem:$0x3FB1]  }
0x2a: {  	p0 =	seq.s32 s5, $0x0;
	s5 =	sld [smem:$0x3FB2]  }
0x2b: {  	s6 =	sld [smem:$0x3FB3]  }
0x2c: {  	s7 =	sld [smem:$0x3FB4]  }
0x2d: {  	s3 =	simm.s32 $0x108;
	s8 =	sld [smem:$0x3FB5]  }
0x2e: {  	s3 =	simm.s32 @!p0 $0x1082;
	s9 =	sld [smem:$0x3FB6]  }
0x2f: {  	lr =	sadd.s32 s0, s3;
	s0 =	sld [smem:$0x3FAD]  }
0x30: {  	s3 =	sld [smem:$0x3FB0]  }
0x31: {  	[smem:$0x3FB9] =	sst s10  }
0x32: {  	s10 =	sld [smem:$0x3FB7];
	_ =	sdelay $0x3  }
0x33: {  	p0 =	seq.s32 s10, $0x1;
	s10 =	sld [smem:$0x3FB9];
	_ =	sdelay $0x3  }
0x34: {  	[smem:$0x3FB9] =	sst s10  }
0x35: {  	s10 =	sld [smem:$0x3FB8];
	_ =	sdelay $0x3  }
0x36: {  	p1 =	seq.s32 s10, $0x1;
	s10 =	sld [smem:$0x3FB9];
	_ =	sdelay $0x3  }
0x37: {  	[smem:$0x3FB9] =	sst s10  }
0x38: {  	s10 =	sld [smem:$0x3FBA]  }
0x39: {  	_ = 	snop;
	(pc) =	sbr.ind lr, $3  }
0x3a: {  	_ = 	snop  }
0x3b: {  	_ = 	snop  }
0x3c: {  	p2 =	seq.s32 s10, $0x1;
	s10 =	sld [smem:$0x3FB9]  }
0x3d: {  	_ =	shalt  }
0x3e: {  	_ =	shalt  }
0x3f: {  	_ =	shalt  }
0x40: {  	_ =	shalt  }
0x41: {  	_ =	shalt  }
0x42: {  	_ =	shalt  }
0x43: {  	_ =	shalt  }
0x44: {  	_ =	shalt  }
0x45: {  	_ =	shalt  }
0x46: {  	_ =	shalt  }
0x47: {  	_ =	shalt  }
0x48: {  	_ =	shalt  }
0x49: {  	_ =	shalt  }
0x4a: {  	_ =	shalt  }
0x4b: {  	_ =	shalt  }
0x4c: {  	_ =	shalt  }
0x4d: {  	_ =	shalt  }
0x4e: {  	_ =	shalt  }
0x4f: {  	_ =	shalt  }
0x50: {  	_ =	shalt  }
0x51: {  	_ =	shalt  }
0x52: {  	_ =	shalt  }
0x53: {  	_ =	shalt  }
0x54: {  	_ =	shalt  }
0x55: {  	_ =	shalt  }
0x56: {  	_ =	shalt  }
0x57: {  	_ =	shalt  }
0x58: {  	_ =	shalt  }
0x59: {  	_ =	shalt  }
0x5a: {  	_ =	shalt  }
0x5b: {  	_ =	shalt  }
0x5c: {  	_ =	shalt  }
0x5d: {  	_ =	shalt  }
0x5e: {  	_ =	shalt  }
0x5f: {  	_ =	shalt  }
0x60: {  	_ =	shalt  }
0x61: {  	_ =	shalt  }
0x62: {  	_ =	shalt  }
0x63: {  	_ =	shalt  }
0x64: {  	_ =	shalt  }
0x65: {  	_ =	shalt  }
0x66: {  	_ =	shalt  }
0x67: {  	_ =	shalt  }
0x68: {  	_ =	shalt  }
0x69: {  	_ =	shalt  }
0x6a: {  	_ =	shalt  }
0x6b: {  	_ =	shalt  }
0x6c: {  	_ =	shalt  }
0x6d: {  	_ =	shalt  }
0x6e: {  	_ =	shalt  }
0x6f: {  	_ =	shalt  }
0x70: {  	_ =	shalt  }
0x71: {  	_ =	shalt  }
0x72: {  	_ =	shalt  }
0x73: {  	_ =	shalt  }
0x74: {  	_ =	shalt  }
0x75: {  	_ =	shalt  }
0x76: {  	_ =	shalt  }
0x77: {  	_ =	shalt  }
0x78: {  	_ =	shalt  }
0x79: {  	_ =	shalt  }
0x7a: {  	_ =	shalt  }
0x7b: {  	_ =	shalt  }
0x7c: {  	_ =	shalt  }
0x7d: {  	_ =	shalt  }
0x7e: {  	_ =	shalt  }
0x7f: {  	_ =	shalt  }
0x80: {  	_ =	shalt  }
0x81: {  	_ =	shalt  }
0x82: {  	_ =	shalt  }
0x83: {  	_ =	shalt  }
0x84: {  	_ =	shalt  }
0x85: {  	_ =	shalt  }
0x86: {  	_ =	shalt  }
0x87: {  	_ =	shalt  }
.Lfunc_end0:
.L_simem_size_0:
called_computation.1_lowered:
.L_overlay_start_0:
0x88: {  	s0 =	sld [smem:$0x3FD9]  }
0x89: {  	s1 =	sld [smem:$0x3FFE];
	_ =	sdelay $0x3  }
0x8a: {  	s0 =	sadd.s32 s1, s0  }
0x8b: {  	[smem:$0x3FC5] =	sst s0  }
0x8c: {  	_ = 	snop  }
0x8d: {  	(tm) =	ssettm $0x1  }
0x8e: {  	s15 =	sld [smem:$0x3FFB];
	_ =	sdelay $0x3  }
0x8f: {  	_ =	strace s15  }
0x90: {  	s0 =	sld [smem:$0x3FFC];
	_ =	sdelay $0x3  }
0x91: {  	_ =	strace s0  }
0x92: {  	s0 =	sld [smem:$0x3FFD];
	_ =	sdelay $0x3  }
0x93: {  	_ =	strace s0  }
0x94: {  	_ =	strace $0x8FFFFFFF  }
0x95: {  	s16 =	sld [smem:$0x3FDB];
	_ =	sdelay $0x1  }
0x96: {  	s17 =	simm.s32 $_scs_section_size  }
0x97: {  	s2 =	simm.s32 $_size__tile_overlayer_lowered;
	s3 =	simm.s32 $_tile_overlayer_lowered  }
0x98: {  	s20 =	simm.s32 $0x1BFF;
	s19 =	sshll.u32 s3, $0x1;
	s0 =	sadd.s32 s17, s16  }
0x99: {  	s4 =	simm.s32 $0x0;
	s18 =	sshll.u32 s2, $0x1;
	s2 =	sadd.s32 s19, s0  }
0x9a: {  	[timem:s4], [sflag:s20] =	dma.local [hbm:s2], s18  }
0x9b: {  	_ =	swait.ge [sflag:s20], s18  }
0x9c: {  	s1 =	ssub.s32 $0x0, s18;
	[sflag:s20] =	ssyncset.done $0x0  }
0x9d: {  	[sflag:s20] =	ssyncadd.s32 s1;
	_ =	sdelay $0x1  }
0x9e: {  	s21 =	simm.s32 $0x1B8B  }
0x9f: {  	_ =	swait.ge [sflag:s21], $0x1  }
0xa0: {  	[sflag:s21] =	ssyncset.done $0x0  }
0xa1: {  	s23 =	simm.s32 $0x1B8E;
	s22 =	sld [smem:$0x3FFE];
	[sflag:s21] =	ssyncadd.s32 $0xFFFFFFFF  }
0xa2: {  	s24 =	simm.s32 $execute0_lowered;
	[smem:$0x3FD2] =	sst s23  }
0xa3: {  	s2 =	sshll.u32 s24, $0x1;
	_ =	strace $0x80000049;
	[dreg:$0x1] =	wrdreg $0xFFFFFFFF  }
0xa4: {  	s25 =	simm.s32 $_size_execute0_lowered;
	s0 =	sadd.s32 s0, s2;
	[dreg:$0x0] =	wrdreg $0x0  }
0xa5: {  	s2 =	sshll.u32 s25, $0x1;
	[dreg:$0x2] =	wrdreg s0  }
0xa6: {  	[dreg:$0x3] =	wrdreg s2  }
0xa7: {  	[dreg:$0x4] =	wrdreg $0xC0  }
0xa8: {  	_ =	task [dreg:s4], $0x5FFFF  }
0xa9: {  	[dreg:$0x1] =	wrdreg $0xFFFFFFFF  }
0xaa: {  	[dreg:$0x0] =	wrdreg $0x60  }
0xab: {  	[dreg:$0x2] =	wrdreg s22  }
0xac: {  	[dreg:$0x3] =	wrdreg $0x9  }
0xad: {  	_ =	task.clear_ibuf [dreg:s4], $0x4FFFF;
	_ =	strace $0x90000049  }
0xae: {  	s26 =	simm.s32 $0x9;
	_ =	strace $0x8000004B  }
0xaf: {  	_ =	swait.ge [sflag:s26], $0x1  }
0xb0: {  	[sflag:s26] =	ssyncadd.s32 $0xFFFFFFFF  }
0xb1: {  	_ =	strace $0x9000004B  }
0xb2: {  	_ =	sfence  }
0xb3: {  	s28 =	sld [smem:$0x0];
	_ =	sdelay $0x1  }
0xb4: {  	s29 =	srdreg.scid  }
0xb5: {  	s30 =	sshll.u32 s29, $0xD;
	s31 =	sshrl.u32 s29, $0x2  }
0xb6: {  	s1 =	sand.u32 $0x1, s29;
	s2 =	sand.u32 $0x4000, s30;
	s0 =	sadd.s32 s31, s28  }
0xb7: {  	s1 =	sor.u32 s2, s1;
	s0 =	sshll.u32 s0, $0x11  }
0xb8: {  	s0 =	sor.u32 s0, s1  }
0xb9: {  	s0 =	sadd.s32 $0x8F2B, s0  }
0xba: {  	[sflag:s0] =	ssyncadd.remote.s32 $0x1  }
0xbb: {  	_ =	sfence.sel $0xFFFF  }
0xbc: {  	[dreg:$0x0] =	wrdreg $0xFFFFFFFF;
	(pc) =	sbr.abs _section_cstart, $3  }
0xbd: {  	[dreg:$0x1] =	wrdreg $0xFFFFFFFF  }
0xbe: {  	_ =	task.clear_ibuf [dreg:s4], $0x2FFFF;
	_ =	strace $0x9FFFFFFF  }
0xbf: {  	(tm) =	ssettm $0x7FFFFFFF  }
tec
execute0_lowered:
.L_overlay_start_1:
0x0: {  	(tag) =	ssettag $0x1  }
0x1: {  	s5 =	rddreg [dreg:$0x0]  }
0x2: {  	s0 =	rddreg [dreg:$0x1]  }
0x3: {  	_ =	strace $0x8000004A;
	s1 =	stileid.u32;
	s6 =	simm.s32 $0x1  }
0x4: {  	s8 =	simm.s32 $0x2;
	s30 =	simm.s32 $0x3;
	s12 =	simm.s32 $0x0  }
0x5: {  	s9 =	simm.s32 $0x0;
	s10 =	simm.s32 $0x0;
	s4 =	sshll.u32 s1, $0x4  }
0x6: {  	s2 =	sadd.s32 $0x7400, s5;
	s3 =	sadd.s32 $0x12800, s5;
	s7 =	ssub.s32 $0x15880, s4  }
0x7: {  	s5 =	sadd.s32 $0xF3400, s5;
	[sflag:s6] =	ssyncpa.u1 $0x0;
	s6 =	sshrl.u32 s7, $0x8  }
0x8: {  	[sflag:s8] =	ssyncpa.u1 $0x0;
	s11 =	smov.u32 s4;
	s31 =	sshll.u32 s6, $0x4  }
0x9: {  	[sflag:s30] =	ssyncpa.u1 $0x0;
	s7 =	sadd.s32 $0x2, s6;
	s8 =	sadd.s32 $0x30, s31  }
.LBB2_1:
0xa: {  	p0 =	sgt.u32 s10, s6  }
0xb: {  	s13 =	sxor.u32 @!p0 $0xFFFFFFFF, s9;
	s14 =	sshrl.u32 @!p0 s11, $0x3  }
0xc: {  	s15 =	sand.u32 @!p0 $0x7, s11;
	s13 =	sand.u32 @!p0 $0x10, s13;
	s14 =	sadd.s32 @!p0 s3, s14  }
0xd: {  	[tilespmem:s13], [sflag:$0x2] =	stream.linear.gather @!p0 [hbm4b:s14+s15], $0x10, $0x38;
	[tilespmem:$0x40] =	vst v63  }
0xe: {  	p0 =	seq.s32 s9, $0x0  }
0xf: {  	p1 =	sge.u32 @!p0 s10, s7  }
0x10: {  	p0 =	por p1, p0  }
0x11: {  	s13 =	simm.s32 @!p0 $0x2  }
0x12: {  	_ =	swait.ge @!p0 [sflag:s13], $0x10  }
0x13: {  	[sflag:s13] =	ssyncset.done @!p0 $0x0  }
0x14: {  	[sflag:s13] =	ssyncadd.s32 @!p0 $0xFFFFFFF0;
	s13 =	sand.u32 @!p0 $0x10, s9  }
0x15: {  	(ifvalue) =	ssetifvalue @!p0 $0x7FFFFFFF;
	v0 =	vld.msk @!p0 [tilespmem:s13+$0x0 ss:$0x1], $0xffff;
	_ =	sdelay $0x4  }
0x16: {  	vm0 =	vgt.s32 @!p0 v0, $0x0  }
0x17: {  	v0 =	vnsel @!p0 vm0, $0x0, v0  }
0x18: {  	v0 =	vmin.u32 @!p0 v0, $0xAC44;
	_ =	sdelay $0x3  }
0x19: {  	s14 =	simm.s32 @!p0 $0x0;
	s13 =	sor.u32 @!p0 $0x20, s13;
	(ifvalue) =	ssetifvalue @!p0 $0x7FFFFFFF;
	vm0 =	vmmov @!p0 $0xffff  }
0x1a: {  	[tilespmem:s13], [sflag:$0x1] =	stream.indirect_vreg.gather @!p0 [hbm4b:s2+s14], $0x1, v0, vm0, $0x4038;
	[tilespmem:$0x40] =	vst v63  }
0x1b: {  	s14 =	simm.s32 @!p0 $0x1  }
0x1c: {  	_ =	swait.ge @!p0 [sflag:s14], $0x10  }
0x1d: {  	s15 =	sshrl.u32 @!p0 s12, $0x3;
	[sflag:s14] =	ssyncset.done @!p0 $0x0  }
0x1e: {  	s12 =	sand.u32 @!p0 $0x7, s12;
	[sflag:s14] =	ssyncadd.s32 @!p0 $0xFFFFFFF0;
	s14 =	sadd.s32 @!p0 s5, s15  }
0x1f: {  	[hbm4b:s14+s12] =	stream.linear.scatter @!p0 [tilespmem:s13], [sflag:$0x3], $0x10, $0x38;
	[tilespmem:$0x40] =	vst v63  }
0x20: {  	s14 =	sadd.s32 $0x100, s11  }
0x21: {  	s9 =	sadd.s32 $0x10, s9;
	p1 =	sgt.s32 s14, $0x15887  }
0x22: {  	s14 =	smov.u32 @p1 s4;
	p1 =	sne.s32 s8, s9  }
.Ltmp0:
0x23: {  	p0 =	slt.u32 s10, $0x2;
	(pc) =	sbr.rel @p1 .LBB2_1-.Ltmp0, $4  }
0x24: {  	s13 =	simm.s32 @!p0 $0x3  }
0x25: {  	_ =	swait.ge @!p0 [sflag:s13], $0x10  }
0x26: {  	s12 =	smov.u32 s11;
	[sflag:s13] =	ssyncset.done @!p0 $0x0  }
0x27: {  	s10 =	sadd.s32 $0x1, s10;
	s11 =	smov.u32 s14;
	[sflag:s13] =	ssyncadd.s32 @!p0 $0xFFFFFFF0  }
0x28: {  	_ =	sfence.sel $0x180000  }
0x29: {  	s2 =	simm.s32 $0x2;
	[bflag:$0x0] =	sbarrier.arrive $0xFFFF  }
0x2a: {  	s30 =	simm.s32 $0x3;
	[sflag:s2] =	ssyncpa.u1 $0x1  }
0x2b: {  	s31 =	simm.s32 $0x1;
	[sflag:s30] =	ssyncpa.u1 $0x1  }
0x2c: {  	[sflag:s31] =	ssyncpa.u1 $0x1  }
0x2d: {  	p0 =	sne.s32 s1, $0x0;
	_ =	strace $0x9000004A  }
0x2e: {  	s0 =	sadd.s32 @!p0 $0x100000, s0;
	[bflag:$0x2] =	sbarrier.arrive $0xFFFF  }
0x2f: {  	[sflag:s0] =	ssyncadd.tile.s32 @!p0 $0x1;
	_ =	shalt  }
.Lfunc_end2:
_tile_overlayer_lowered:
.L_overlay_start_2:
0x30: {  	(tag) =	ssettag $0x2  }
0x31: {  	s0 =	rddreg [dreg:$0x0];
	s2 =	stileid.u32  }
0x32: {  	s1 =	rddreg [dreg:$0x1];
	p0 =	sne.s32 s2, $0x0  }
0x33: {  	s3 =	rddreg [dreg:$0x2];
	[bflag:$0x3] =	sbarrier.arrive $0xFFFF;
	s2 =	simm.s32 @!p0 $0x1C01  }
0x34: {  	[timem:s3], [sflag:s2] =	dma.local @!p0 [hbm:s0], s1  }
0x35: {  	s0 =	simm.s32 @!p0 $0x1  }
0x36: {  	_ =	swait.ge @!p0 [sflag:s0], s1  }
0x37: {  	s1 =	ssub.s32 @!p0 $0x0, s1;
	[sflag:s0] =	ssyncset.done @!p0 $0x0  }
0x38: {  	[sflag:s0] =	ssyncadd.s32 @!p0 s1  }
0x39: {  	[bflag:$0x3] =	sbarrier.arrive $0xFFFF  }
0x3a: {  	_ =	shalt  }

// kernel: gather_offload_async_start.2
scs
__scs_entry_jumppad:
0x0: {  	(pc) =	sbr.rel $0x88, $3  }
0x1: {  	(tag) =	ssettag $0x0;
	lr =	simm.s32 $0x1  }
0x2: {  	[smem:$0x3F9E] =	sst lr;
	_ =	strace $0xD0000000  }
0x3: {  	_ = 	snop  }
0x4: {  	_ = 	snop  }
0x5: {  	_ = 	snop  }
0x6: {  	_ = 	snop  }
0x7: {  	_ = 	snop  }
__scs_overlays_trampoline_lowered:
0x8: {  	[smem:$0x3FAD] =	sst s0  }
0x9: {  	[smem:$0x3FAE] =	sst s1  }
0xa: {  	[smem:$0x3FAF] =	sst s2  }
0xb: {  	[smem:$0x3FB0] =	sst s3  }
0xc: {  	[smem:$0x3FB1] =	sst s4  }
0xd: {  	[smem:$0x3FB2] =	sst s5  }
0xe: {  	[smem:$0x3FB3] =	sst s6  }
0xf: {  	[smem:$0x3FB4] =	sst s7  }
0x10: {  	[smem:$0x3FB5] =	sst s8  }
0x11: {  	[smem:$0x3FB6] =	sst s9;
	s0 =	simm.s32 @!p0 $0x0  }
0x12: {  	s1 =	sld [smem:$0x3F9C];
	s0 =	simm.s32 @p0 $0x1  }
0x13: {  	[smem:$0x3FB7] =	sst s0;
	s0 =	simm.s32 @!p1 $0x0  }
0x14: {  	s2 =	sld [smem:$0x3F9B];
	s0 =	simm.s32 @p1 $0x1  }
0x15: {  	[smem:$0x3FB8] =	sst s0;
	s0 =	simm.s32 @!p2 $0x0  }
0x16: {  	s3 =	sld [smem:$0x3FDB];
	s0 =	simm.s32 @p2 $0x1  }
0x17: {  	s4 =	simm.s32 $0x1BF5;
	[smem:$0x3FBA] =	sst s0  }
0x18: {  	s0 =	sld [smem:$0x3F9D];
	_ =	swait.ge [sflag:s4], $0x0  }
0x19: {  	s7 =	sld [smem:$0x3F9E]  }
0x1a: {  	s8 =	sadd.s32 $0xFFFFE003, lr  }
0x1b: {  	s9 =	sadd.s32 $0xFFFFFEF7, lr;
	s5 =	simm.s32 $0xFFFFFFFF;
	p2 =	slt.u32 s8, $0xFFFFF086  }
0x1c: {  	p1 =	slt.u32 s9, $0xF7A;
	s5 =	simm.s32 @!p2 $0x0  }
0x1d: {  	s5 =	simm.s32 @p1 $0x1;
	p0 =	seq.s32 s7, s2  }
0x1e: {  	s7 =	smul.u32 @!p0 $0xF7A, s2;
	p2 =	seq.s32 @!p0 s5, $0x0  }
0x1f: {  	s9 =	smul.u32 $0xF7A, s1;
	s8 =	simm.s32 @!p0 $0x1BF5;
	p2 =	por !p2, p0  }
0x20: {  	[sflag:s8] =	ssyncset.s32 @!p0 $0xFFFFF086;
	s6 =	sadd.s32 @!p0 s3, s7;
	s7 =	simm.s32 @!p0 $0x108  }
0x21: {  	s3 =	sadd.s32 s3, s9;
	s6 =	sadd.s32 @!p0 $0x88, s6;
	s7 =	simm.s32 @p2 $0x1082  }
0x22: {  	[simem:s7], [sflag:s8] =	dma.local @!p0 [hbm:s6], $0xF7A  }
0x23: {  	s9 =	sor.u32 $0xD0000000, s2;
	s6 =	simm.s32 $0x108;
	_ =	swait.ge @!p0 [sflag:s8], $0x0  }
0x24: {  	s3 =	sadd.s32 $0x88, s3;
	s6 =	simm.s32 @!p1 $0x1082;
	[sflag:s4] =	ssyncset.s32 $0xFFFFF086  }
0x25: {  	[simem:s6], [sflag:s4] =	dma.local [hbm:s3], $0xF7A  }
0x26: {  	[smem:$0x3F9E] =	sst s1;
	(tag) =	ssettag s2;
	_ =	strace s9  }
0x27: {  	s1 =	sld [smem:$0x3FAE]  }
0x28: {  	s2 =	sld [smem:$0x3FAF]  }
0x29: {  	s4 =	sld [smem:$0x3FB1]  }
0x2a: {  	p0 =	seq.s32 s5, $0x0;
	s5 =	sld [smem:$0x3FB2]  }
0x2b: {  	s6 =	sld [smem:$0x3FB3]  }
0x2c: {  	s7 =	sld [smem:$0x3FB4]  }
0x2d: {  	s3 =	simm.s32 $0x108;
	s8 =	sld [smem:$0x3FB5]  }
0x2e: {  	s3 =	simm.s32 @!p0 $0x1082;
	s9 =	sld [smem:$0x3FB6]  }
0x2f: {  	lr =	sadd.s32 s0, s3;
	s0 =	sld [smem:$0x3FAD]  }
0x30: {  	s3 =	sld [smem:$0x3FB0]  }
0x31: {  	[smem:$0x3FB9] =	sst s10  }
0x32: {  	s10 =	sld [smem:$0x3FB7];
	_ =	sdelay $0x3  }
0x33: {  	p0 =	seq.s32 s10, $0x1;
	s10 =	sld [smem:$0x3FB9];
	_ =	sdelay $0x3  }
0x34: {  	[smem:$0x3FB9] =	sst s10  }
0x35: {  	s10 =	sld [smem:$0x3FB8];
	_ =	sdelay $0x3  }
0x36: {  	p1 =	seq.s32 s10, $0x1;
	s10 =	sld [smem:$0x3FB9];
	_ =	sdelay $0x3  }
0x37: {  	[smem:$0x3FB9] =	sst s10  }
0x38: {  	s10 =	sld [smem:$0x3FBA]  }
0x39: {  	_ = 	snop;
	(pc) =	sbr.ind lr, $3  }
0x3a: {  	_ = 	snop  }
0x3b: {  	_ = 	snop  }
0x3c: {  	p2 =	seq.s32 s10, $0x1;
	s10 =	sld [smem:$0x3FB9]  }
0x3d: {  	_ =	shalt  }
0x3e: {  	_ =	shalt  }
0x3f: {  	_ =	shalt  }
0x40: {  	_ =	shalt  }
0x41: {  	_ =	shalt  }
0x42: {  	_ =	shalt  }
0x43: {  	_ =	shalt  }
0x44: {  	_ =	shalt  }
0x45: {  	_ =	shalt  }
0x46: {  	_ =	shalt  }
0x47: {  	_ =	shalt  }
0x48: {  	_ =	shalt  }
0x49: {  	_ =	shalt  }
0x4a: {  	_ =	shalt  }
0x4b: {  	_ =	shalt  }
0x4c: {  	_ =	shalt  }
0x4d: {  	_ =	shalt  }
0x4e: {  	_ =	shalt  }
0x4f: {  	_ =	shalt  }
0x50: {  	_ =	shalt  }
0x51: {  	_ =	shalt  }
0x52: {  	_ =	shalt  }
0x53: {  	_ =	shalt  }
0x54: {  	_ =	shalt  }
0x55: {  	_ =	shalt  }
0x56: {  	_ =	shalt  }
0x57: {  	_ =	shalt  }
0x58: {  	_ =	shalt  }
0x59: {  	_ =	shalt  }
0x5a: {  	_ =	shalt  }
0x5b: {  	_ =	shalt  }
0x5c: {  	_ =	shalt  }
0x5d: {  	_ =	shalt  }
0x5e: {  	_ =	shalt  }
0x5f: {  	_ =	shalt  }
0x60: {  	_ =	shalt  }
0x61: {  	_ =	shalt  }
0x62: {  	_ =	shalt  }
0x63: {  	_ =	shalt  }
0x64: {  	_ =	shalt  }
0x65: {  	_ =	shalt  }
0x66: {  	_ =	shalt  }
0x67: {  	_ =	shalt  }
0x68: {  	_ =	shalt  }
0x69: {  	_ =	shalt  }
0x6a: {  	_ =	shalt  }
0x6b: {  	_ =	shalt  }
0x6c: {  	_ =	shalt  }
0x6d: {  	_ =	shalt  }
0x6e: {  	_ =	shalt  }
0x6f: {  	_ =	shalt  }
0x70: {  	_ =	shalt  }
0x71: {  	_ =	shalt  }
0x72: {  	_ =	shalt  }
0x73: {  	_ =	shalt  }
0x74: {  	_ =	shalt  }
0x75: {  	_ =	shalt  }
0x76: {  	_ =	shalt  }
0x77: {  	_ =	shalt  }
0x78: {  	_ =	shalt  }
0x79: {  	_ =	shalt  }
0x7a: {  	_ =	shalt  }
0x7b: {  	_ =	shalt  }
0x7c: {  	_ =	shalt  }
0x7d: {  	_ =	shalt  }
0x7e: {  	_ =	shalt  }
0x7f: {  	_ =	shalt  }
0x80: {  	_ =	shalt  }
0x81: {  	_ =	shalt  }
0x82: {  	_ =	shalt  }
0x83: {  	_ =	shalt  }
0x84: {  	_ =	shalt  }
0x85: {  	_ =	shalt  }
0x86: {  	_ =	shalt  }
0x87: {  	_ =	shalt  }
.Lfunc_end0:
.L_simem_size_0:
called_computation.2_lowered:
.L_overlay_start_0:
0x88: {  	s0 =	sld [smem:$0x3FD9]  }
0x89: {  	s1 =	sld [smem:$0x3FFE];
	_ =	sdelay $0x3  }
0x8a: {  	s0 =	sadd.s32 s1, s0  }
0x8b: {  	[smem:$0x3FC5] =	sst s0  }
0x8c: {  	_ = 	snop  }
0x8d: {  	(tm) =	ssettm $0x1  }
0x8e: {  	s15 =	sld [smem:$0x3FFB];
	_ =	sdelay $0x3  }
0x8f: {  	_ =	strace s15  }
0x90: {  	s0 =	sld [smem:$0x3FFC];
	_ =	sdelay $0x3  }
0x91: {  	_ =	strace s0  }
0x92: {  	s0 =	sld [smem:$0x3FFD];
	_ =	sdelay $0x3  }
0x93: {  	_ =	strace s0  }
0x94: {  	_ =	strace $0x8FFFFFFF  }
0x95: {  	s16 =	sld [smem:$0x3FDB];
	_ =	sdelay $0x1  }
0x96: {  	s17 =	simm.s32 $_scs_section_size  }
0x97: {  	s2 =	simm.s32 $_size__tile_overlayer_lowered;
	s3 =	simm.s32 $_tile_overlayer_lowered  }
0x98: {  	s20 =	simm.s32 $0x1BFF;
	s19 =	sshll.u32 s3, $0x1;
	s0 =	sadd.s32 s17, s16  }
0x99: {  	s4 =	simm.s32 $0x0;
	s18 =	sshll.u32 s2, $0x1;
	s2 =	sadd.s32 s19, s0  }
0x9a: {  	[timem:s4], [sflag:s20] =	dma.local [hbm:s2], s18  }
0x9b: {  	_ =	swait.ge [sflag:s20], s18  }
0x9c: {  	s1 =	ssub.s32 $0x0, s18;
	[sflag:s20] =	ssyncset.done $0x0  }
0x9d: {  	[sflag:s20] =	ssyncadd.s32 s1;
	_ =	sdelay $0x1  }
0x9e: {  	s21 =	simm.s32 $0x1B8B  }
0x9f: {  	_ =	swait.ge [sflag:s21], $0x1  }
0xa0: {  	[sflag:s21] =	ssyncset.done $0x0  }
0xa1: {  	s23 =	simm.s32 $0x1B8E;
	s22 =	sld [smem:$0x3FFE];
	[sflag:s21] =	ssyncadd.s32 $0xFFFFFFFF  }
0xa2: {  	s24 =	simm.s32 $execute0_lowered;
	[smem:$0x3FD2] =	sst s23  }
0xa3: {  	s2 =	sshll.u32 s24, $0x1;
	_ =	strace $0x8000004C;
	[dreg:$0x1] =	wrdreg $0xFFFFFFFF  }
0xa4: {  	s25 =	simm.s32 $_size_execute0_lowered;
	s0 =	sadd.s32 s0, s2;
	[dreg:$0x0] =	wrdreg $0x0  }
0xa5: {  	s2 =	sshll.u32 s25, $0x1;
	[dreg:$0x2] =	wrdreg s0  }
0xa6: {  	[dreg:$0x3] =	wrdreg s2  }
0xa7: {  	[dreg:$0x4] =	wrdreg $0xC0  }
0xa8: {  	_ =	task [dreg:s4], $0x5FFFF  }
0xa9: {  	[dreg:$0x1] =	wrdreg $0xFFFFFFFF  }
0xaa: {  	[dreg:$0x0] =	wrdreg $0x60  }
0xab: {  	[dreg:$0x2] =	wrdreg s22  }
0xac: {  	[dreg:$0x3] =	wrdreg $0x9  }
0xad: {  	_ =	task.clear_ibuf [dreg:s4], $0x4FFFF;
	_ =	strace $0x9000004C  }
0xae: {  	s26 =	simm.s32 $0x9;
	_ =	strace $0x8000004E  }
0xaf: {  	_ =	swait.ge [sflag:s26], $0x1  }
0xb0: {  	[sflag:s26] =	ssyncadd.s32 $0xFFFFFFFF  }
0xb1: {  	_ =	strace $0x9000004E  }
0xb2: {  	_ =	sfence  }
0xb3: {  	s28 =	sld [smem:$0x0];
	_ =	sdelay $0x1  }
0xb4: {  	s29 =	srdreg.scid  }
0xb5: {  	s30 =	sshll.u32 s29, $0xD;
	s31 =	sshrl.u32 s29, $0x2  }
0xb6: {  	s1 =	sand.u32 $0x1, s29;
	s2 =	sand.u32 $0x4000, s30;
	s0 =	sadd.s32 s31, s28  }
0xb7: {  	s1 =	sor.u32 s2, s1;
	s0 =	sshll.u32 s0, $0x11  }
0xb8: {  	s0 =	sor.u32 s0, s1  }
0xb9: {  	s0 =	sadd.s32 $0x8F2B, s0  }
0xba: {  	[sflag:s0] =	ssyncadd.remote.s32 $0x1  }
0xbb: {  	_ =	sfence.sel $0xFFFF  }
0xbc: {  	[dreg:$0x0] =	wrdreg $0xFFFFFFFF;
	(pc) =	sbr.abs _section_cstart, $3  }
0xbd: {  	[dreg:$0x1] =	wrdreg $0xFFFFFFFF  }
0xbe: {  	_ =	task.clear_ibuf [dreg:s4], $0x2FFFF;
	_ =	strace $0x9FFFFFFF  }
0xbf: {  	(tm) =	ssettm $0x7FFFFFFF  }
tec
execute0_lowered:
.L_overlay_start_1:
0x0: {  	(tag) =	ssettag $0x1  }
0x1: {  	s5 =	rddreg [dreg:$0x0]  }
0x2: {  	s0 =	rddreg [dreg:$0x1]  }
0x3: {  	_ =	strace $0x8000004D;
	s1 =	stileid.u32;
	s6 =	simm.s32 $0x1  }
0x4: {  	s8 =	simm.s32 $0x2;
	s30 =	simm.s32 $0x3;
	s12 =	simm.s32 $0x0  }
0x5: {  	s9 =	simm.s32 $0x0;
	s10 =	simm.s32 $0x0;
	s4 =	sshll.u32 s1, $0x4  }
0x6: {  	s2 =	sadd.s32 $0x8A00, s5;
	s3 =	sadd.s32 $0x12800, s5;
	s7 =	ssub.s32 $0x15880, s4  }
0x7: {  	s5 =	sadd.s32 $0xF3400, s5;
	[sflag:s6] =	ssyncpa.u1 $0x0;
	s6 =	sshrl.u32 s7, $0x8  }
0x8: {  	[sflag:s8] =	ssyncpa.u1 $0x0;
	s11 =	smov.u32 s4;
	s31 =	sshll.u32 s6, $0x4  }
0x9: {  	[sflag:s30] =	ssyncpa.u1 $0x0;
	s7 =	sadd.s32 $0x2, s6;
	s8 =	sadd.s32 $0x30, s31  }
.LBB2_1:
0xa: {  	p0 =	sgt.u32 s10, s6  }
0xb: {  	s13 =	sxor.u32 @!p0 $0xFFFFFFFF, s9;
	s14 =	sshrl.u32 @!p0 s11, $0x3  }
0xc: {  	s15 =	sand.u32 @!p0 $0x7, s11;
	s13 =	sand.u32 @!p0 $0x10, s13;
	s14 =	sadd.s32 @!p0 s3, s14  }
0xd: {  	[tilespmem:s13], [sflag:$0x2] =	stream.linear.gather @!p0 [hbm4b:s14+s15], $0x10, $0x38;
	[tilespmem:$0x40] =	vst v63  }
0xe: {  	p0 =	seq.s32 s9, $0x0  }
0xf: {  	p1 =	sge.u32 @!p0 s10, s7  }
0x10: {  	p0 =	por p1, p0  }
0x11: {  	s13 =	simm.s32 @!p0 $0x2  }
0x12: {  	_ =	swait.ge @!p0 [sflag:s13], $0x10  }
0x13: {  	[sflag:s13] =	ssyncset.done @!p0 $0x0  }
0x14: {  	[sflag:s13] =	ssyncadd.s32 @!p0 $0xFFFFFFF0;
	s13 =	sand.u32 @!p0 $0x10, s9  }
0x15: {  	(ifvalue) =	ssetifvalue @!p0 $0x7FFFFFFF;
	v0 =	vld.msk @!p0 [tilespmem:s13+$0x0 ss:$0x1], $0xffff;
	_ =	sdelay $0x4  }
0x16: {  	vm0 =	vgt.s32 @!p0 v0, $0x0  }
0x17: {  	v0 =	vnsel @!p0 vm0, $0x0, v0  }
0x18: {  	v0 =	vmin.u32 @!p0 v0, $0xAC44;
	_ =	sdelay $0x3  }
0x19: {  	s14 =	simm.s32 @!p0 $0x0;
	s13 =	sor.u32 @!p0 $0x20, s13;
	(ifvalue) =	ssetifvalue @!p0 $0x7FFFFFFF;
	vm0 =	vmmov @!p0 $0xffff  }
0x1a: {  	[tilespmem:s13], [sflag:$0x1] =	stream.indirect_vreg.gather @!p0 [hbm4b:s2+s14], $0x1, v0, vm0, $0x4038;
	[tilespmem:$0x40] =	vst v63  }
0x1b: {  	s14 =	simm.s32 @!p0 $0x1  }
0x1c: {  	_ =	swait.ge @!p0 [sflag:s14], $0x10  }
0x1d: {  	s15 =	sshrl.u32 @!p0 s12, $0x3;
	[sflag:s14] =	ssyncset.done @!p0 $0x0  }
0x1e: {  	s12 =	sand.u32 @!p0 $0x7, s12;
	[sflag:s14] =	ssyncadd.s32 @!p0 $0xFFFFFFF0;
	s14 =	sadd.s32 @!p0 s5, s15  }
0x1f: {  	[hbm4b:s14+s12] =	stream.linear.scatter @!p0 [tilespmem:s13], [sflag:$0x3], $0x10, $0x38;
	[tilespmem:$0x40] =	vst v63  }
0x20: {  	s14 =	sadd.s32 $0x100, s11  }
0x21: {  	s9 =	sadd.s32 $0x10, s9;
	p1 =	sgt.s32 s14, $0x15887  }
0x22: {  	s14 =	smov.u32 @p1 s4;
	p1 =	sne.s32 s8, s9  }
.Ltmp0:
0x23: {  	p0 =	slt.u32 s10, $0x2;
	(pc) =	sbr.rel @p1 .LBB2_1-.Ltmp0, $4  }
0x24: {  	s13 =	simm.s32 @!p0 $0x3  }
0x25: {  	_ =	swait.ge @!p0 [sflag:s13], $0x10  }
0x26: {  	s12 =	smov.u32 s11;
	[sflag:s13] =	ssyncset.done @!p0 $0x0  }
0x27: {  	s10 =	sadd.s32 $0x1, s10;
	s11 =	smov.u32 s14;
	[sflag:s13] =	ssyncadd.s32 @!p0 $0xFFFFFFF0  }
0x28: {  	_ =	sfence.sel $0x180000  }
0x29: {  	s2 =	simm.s32 $0x2;
	[bflag:$0x0] =	sbarrier.arrive $0xFFFF  }
0x2a: {  	s30 =	simm.s32 $0x3;
	[sflag:s2] =	ssyncpa.u1 $0x1  }
0x2b: {  	s31 =	simm.s32 $0x1;
	[sflag:s30] =	ssyncpa.u1 $0x1  }
0x2c: {  	[sflag:s31] =	ssyncpa.u1 $0x1  }
0x2d: {  	p0 =	sne.s32 s1, $0x0;
	_ =	strace $0x9000004D  }
0x2e: {  	s0 =	sadd.s32 @!p0 $0x100000, s0;
	[bflag:$0x2] =	sbarrier.arrive $0xFFFF  }
0x2f: {  	[sflag:s0] =	ssyncadd.tile.s32 @!p0 $0x1;
	_ =	shalt  }
.Lfunc_end2:
_tile_overlayer_lowered:
.L_overlay_start_2:
0x30: {  	(tag) =	ssettag $0x2  }
0x31: {  	s0 =	rddreg [dreg:$0x0];
	s2 =	stileid.u32  }
0x32: {  	s1 =	rddreg [dreg:$0x1];
	p0 =	sne.s32 s2, $0x0  }
0x33: {  	s3 =	rddreg [dreg:$0x2];
	[bflag:$0x3] =	sbarrier.arrive $0xFFFF;
	s2 =	simm.s32 @!p0 $0x1C01  }
0x34: {  	[timem:s3], [sflag:s2] =	dma.local @!p0 [hbm:s0], s1  }
0x35: {  	s0 =	simm.s32 @!p0 $0x1  }
0x36: {  	_ =	swait.ge @!p0 [sflag:s0], s1  }
0x37: {  	s1 =	ssub.s32 @!p0 $0x0, s1;
	[sflag:s0] =	ssyncset.done @!p0 $0x0  }
0x38: {  	[sflag:s0] =	ssyncadd.s32 @!p0 s1  }
0x39: {  	[bflag:$0x3] =	sbarrier.arrive $0xFFFF  }
0x3a: {  	_ =	shalt  }

// kernel: gather_offload_async_start.3
scs
__scs_entry_jumppad:
0x0: {  	(pc) =	sbr.rel $0x88, $3  }
0x1: {  	(tag) =	ssettag $0x0;
	lr =	simm.s32 $0x1  }
0x2: {  	[smem:$0x3F9E] =	sst lr;
	_ =	strace $0xD0000000  }
0x3: {  	_ = 	snop  }
0x4: {  	_ = 	snop  }
0x5: {  	_ = 	snop  }
0x6: {  	_ = 	snop  }
0x7: {  	_ = 	snop  }
__scs_overlays_trampoline_lowered:
0x8: {  	[smem:$0x3FAD] =	sst s0  }
0x9: {  	[smem:$0x3FAE] =	sst s1  }
0xa: {  	[smem:$0x3FAF] =	sst s2  }
0xb: {  	[smem:$0x3FB0] =	sst s3  }
0xc: {  	[smem:$0x3FB1] =	sst s4  }
0xd: {  	[smem:$0x3FB2] =	sst s5  }
0xe: {  	[smem:$0x3FB3] =	sst s6  }
0xf: {  	[smem:$0x3FB4] =	sst s7  }
0x10: {  	[smem:$0x3FB5] =	sst s8  }
0x11: {  	[smem:$0x3FB6] =	sst s9;
	s0 =	simm.s32 @!p0 $0x0  }
0x12: {  	s1 =	sld [smem:$0x3F9C];
	s0 =	simm.s32 @p0 $0x1  }
0x13: {  	[smem:$0x3FB7] =	sst s0;
	s0 =	simm.s32 @!p1 $0x0  }
0x14: {  	s2 =	sld [smem:$0x3F9B];
	s0 =	simm.s32 @p1 $0x1  }
0x15: {  	[smem:$0x3FB8] =	sst s0;
	s0 =	simm.s32 @!p2 $0x0  }
0x16: {  	s3 =	sld [smem:$0x3FDB];
	s0 =	simm.s32 @p2 $0x1  }
0x17: {  	s4 =	simm.s32 $0x1BF5;
	[smem:$0x3FBA] =	sst s0  }
0x18: {  	s0 =	sld [smem:$0x3F9D];
	_ =	swait.ge [sflag:s4], $0x0  }
0x19: {  	s7 =	sld [smem:$0x3F9E]  }
0x1a: {  	s8 =	sadd.s32 $0xFFFFE003, lr  }
0x1b: {  	s9 =	sadd.s32 $0xFFFFFEF7, lr;
	s5 =	simm.s32 $0xFFFFFFFF;
	p2 =	slt.u32 s8, $0xFFFFF086  }
0x1c: {  	p1 =	slt.u32 s9, $0xF7A;
	s5 =	simm.s32 @!p2 $0x0  }
0x1d: {  	s5 =	simm.s32 @p1 $0x1;
	p0 =	seq.s32 s7, s2  }
0x1e: {  	s7 =	smul.u32 @!p0 $0xF7A, s2;
	p2 =	seq.s32 @!p0 s5, $0x0  }
0x1f: {  	s9 =	smul.u32 $0xF7A, s1;
	s8 =	simm.s32 @!p0 $0x1BF5;
	p2 =	por !p2, p0  }
0x20: {  	[sflag:s8] =	ssyncset.s32 @!p0 $0xFFFFF086;
	s6 =	sadd.s32 @!p0 s3, s7;
	s7 =	simm.s32 @!p0 $0x108  }
0x21: {  	s3 =	sadd.s32 s3, s9;
	s6 =	sadd.s32 @!p0 $0x88, s6;
	s7 =	simm.s32 @p2 $0x1082  }
0x22: {  	[simem:s7], [sflag:s8] =	dma.local @!p0 [hbm:s6], $0xF7A  }
0x23: {  	s9 =	sor.u32 $0xD0000000, s2;
	s6 =	simm.s32 $0x108;
	_ =	swait.ge @!p0 [sflag:s8], $0x0  }
0x24: {  	s3 =	sadd.s32 $0x88, s3;
	s6 =	simm.s32 @!p1 $0x1082;
	[sflag:s4] =	ssyncset.s32 $0xFFFFF086  }
0x25: {  	[simem:s6], [sflag:s4] =	dma.local [hbm:s3], $0xF7A  }
0x26: {  	[smem:$0x3F9E] =	sst s1;
	(tag) =	ssettag s2;
	_ =	strace s9  }
0x27: {  	s1 =	sld [smem:$0x3FAE]  }
0x28: {  	s2 =	sld [smem:$0x3FAF]  }
0x29: {  	s4 =	sld [smem:$0x3FB1]  }
0x2a: {  	p0 =	seq.s32 s5, $0x0;
	s5 =	sld [smem:$0x3FB2]  }
0x2b: {  	s6 =	sld [smem:$0x3FB3]  }
0x2c: {  	s7 =	sld [smem:$0x3FB4]  }
0x2d: {  	s3 =	simm.s32 $0x108;
	s8 =	sld [smem:$0x3FB5]  }
0x2e: {  	s3 =	simm.s32 @!p0 $0x1082;
	s9 =	sld [smem:$0x3FB6]  }
0x2f: {  	lr =	sadd.s32 s0, s3;
	s0 =	sld [smem:$0x3FAD]  }
0x30: {  	s3 =	sld [smem:$0x3FB0]  }
0x31: {  	[smem:$0x3FB9] =	sst s10  }
0x32: {  	s10 =	sld [smem:$0x3FB7];
	_ =	sdelay $0x3  }
0x33: {  	p0 =	seq.s32 s10, $0x1;
	s10 =	sld [smem:$0x3FB9];
	_ =	sdelay $0x3  }
0x34: {  	[smem:$0x3FB9] =	sst s10  }
0x35: {  	s10 =	sld [smem:$0x3FB8];
	_ =	sdelay $0x3  }
0x36: {  	p1 =	seq.s32 s10, $0x1;
	s10 =	sld [smem:$0x3FB9];
	_ =	sdelay $0x3  }
0x37: {  	[smem:$0x3FB9] =	sst s10  }
0x38: {  	s10 =	sld [smem:$0x3FBA]  }
0x39: {  	_ = 	snop;
	(pc) =	sbr.ind lr, $3  }
0x3a: {  	_ = 	snop  }
0x3b: {  	_ = 	snop  }
0x3c: {  	p2 =	seq.s32 s10, $0x1;
	s10 =	sld [smem:$0x3FB9]  }
0x3d: {  	_ =	shalt  }
0x3e: {  	_ =	shalt  }
0x3f: {  	_ =	shalt  }
0x40: {  	_ =	shalt  }
0x41: {  	_ =	shalt  }
0x42: {  	_ =	shalt  }
0x43: {  	_ =	shalt  }
0x44: {  	_ =	shalt  }
0x45: {  	_ =	shalt  }
0x46: {  	_ =	shalt  }
0x47: {  	_ =	shalt  }
0x48: {  	_ =	shalt  }
0x49: {  	_ =	shalt  }
0x4a: {  	_ =	shalt  }
0x4b: {  	_ =	shalt  }
0x4c: {  	_ =	shalt  }
0x4d: {  	_ =	shalt  }
0x4e: {  	_ =	shalt  }
0x4f: {  	_ =	shalt  }
0x50: {  	_ =	shalt  }
0x51: {  	_ =	shalt  }
0x52: {  	_ =	shalt  }
0x53: {  	_ =	shalt  }
0x54: {  	_ =	shalt  }
0x55: {  	_ =	shalt  }
0x56: {  	_ =	shalt  }
0x57: {  	_ =	shalt  }
0x58: {  	_ =	shalt  }
0x59: {  	_ =	shalt  }
0x5a: {  	_ =	shalt  }
0x5b: {  	_ =	shalt  }
0x5c: {  	_ =	shalt  }
0x5d: {  	_ =	shalt  }
0x5e: {  	_ =	shalt  }
0x5f: {  	_ =	shalt  }
0x60: {  	_ =	shalt  }
0x61: {  	_ =	shalt  }
0x62: {  	_ =	shalt  }
0x63: {  	_ =	shalt  }
0x64: {  	_ =	shalt  }
0x65: {  	_ =	shalt  }
0x66: {  	_ =	shalt  }
0x67: {  	_ =	shalt  }
0x68: {  	_ =	shalt  }
0x69: {  	_ =	shalt  }
0x6a: {  	_ =	shalt  }
0x6b: {  	_ =	shalt  }
0x6c: {  	_ =	shalt  }
0x6d: {  	_ =	shalt  }
0x6e: {  	_ =	shalt  }
0x6f: {  	_ =	shalt  }
0x70: {  	_ =	shalt  }
0x71: {  	_ =	shalt  }
0x72: {  	_ =	shalt  }
0x73: {  	_ =	shalt  }
0x74: {  	_ =	shalt  }
0x75: {  	_ =	shalt  }
0x76: {  	_ =	shalt  }
0x77: {  	_ =	shalt  }
0x78: {  	_ =	shalt  }
0x79: {  	_ =	shalt  }
0x7a: {  	_ =	shalt  }
0x7b: {  	_ =	shalt  }
0x7c: {  	_ =	shalt  }
0x7d: {  	_ =	shalt  }
0x7e: {  	_ =	shalt  }
0x7f: {  	_ =	shalt  }
0x80: {  	_ =	shalt  }
0x81: {  	_ =	shalt  }
0x82: {  	_ =	shalt  }
0x83: {  	_ =	shalt  }
0x84: {  	_ =	shalt  }
0x85: {  	_ =	shalt  }
0x86: {  	_ =	shalt  }
0x87: {  	_ =	shalt  }
.Lfunc_end0:
.L_simem_size_0:
called_computation.3_lowered:
.L_overlay_start_0:
0x88: {  	s0 =	sld [smem:$0x3FD9]  }
0x89: {  	s1 =	sld [smem:$0x3FFE];
	_ =	sdelay $0x3  }
0x8a: {  	s0 =	sadd.s32 s1, s0  }
0x8b: {  	[smem:$0x3FC5] =	sst s0  }
0x8c: {  	_ = 	snop  }
0x8d: {  	(tm) =	ssettm $0x1  }
0x8e: {  	s15 =	sld [smem:$0x3FFB];
	_ =	sdelay $0x3  }
0x8f: {  	_ =	strace s15  }
0x90: {  	s0 =	sld [smem:$0x3FFC];
	_ =	sdelay $0x3  }
0x91: {  	_ =	strace s0  }
0x92: {  	s0 =	sld [smem:$0x3FFD];
	_ =	sdelay $0x3  }
0x93: {  	_ =	strace s0  }
0x94: {  	_ =	strace $0x8FFFFFFF  }
0x95: {  	s16 =	sld [smem:$0x3FDB];
	_ =	sdelay $0x1  }
0x96: {  	s17 =	simm.s32 $_scs_section_size  }
0x97: {  	s2 =	simm.s32 $_size__tile_overlayer_lowered;
	s3 =	simm.s32 $_tile_overlayer_lowered  }
0x98: {  	s20 =	simm.s32 $0x1BFF;
	s19 =	sshll.u32 s3, $0x1;
	s0 =	sadd.s32 s17, s16  }
0x99: {  	s4 =	simm.s32 $0x0;
	s18 =	sshll.u32 s2, $0x1;
	s2 =	sadd.s32 s19, s0  }
0x9a: {  	[timem:s4], [sflag:s20] =	dma.local [hbm:s2], s18  }
0x9b: {  	_ =	swait.ge [sflag:s20], s18  }
0x9c: {  	s1 =	ssub.s32 $0x0, s18;
	[sflag:s20] =	ssyncset.done $0x0  }
0x9d: {  	[sflag:s20] =	ssyncadd.s32 s1;
	_ =	sdelay $0x1  }
0x9e: {  	s21 =	simm.s32 $0x1B8B  }
0x9f: {  	_ =	swait.ge [sflag:s21], $0x1  }
0xa0: {  	[sflag:s21] =	ssyncset.done $0x0  }
0xa1: {  	s23 =	simm.s32 $0x1B8E;
	s22 =	sld [smem:$0x3FFE];
	[sflag:s21] =	ssyncadd.s32 $0xFFFFFFFF  }
0xa2: {  	s24 =	simm.s32 $execute0_lowered;
	[smem:$0x3FD2] =	sst s23  }
0xa3: {  	s2 =	sshll.u32 s24, $0x1;
	_ =	strace $0x8000004F;
	[dreg:$0x1] =	wrdreg $0xFFFFFFFF  }
0xa4: {  	s25 =	simm.s32 $_size_execute0_lowered;
	s0 =	sadd.s32 s0, s2;
	[dreg:$0x0] =	wrdreg $0x0  }
0xa5: {  	s2 =	sshll.u32 s25, $0x1;
	[dreg:$0x2] =	wrdreg s0  }
0xa6: {  	[dreg:$0x3] =	wrdreg s2  }
0xa7: {  	[dreg:$0x4] =	wrdreg $0xC0  }
0xa8: {  	_ =	task [dreg:s4], $0x5FFFF  }
0xa9: {  	[dreg:$0x1] =	wrdreg $0xFFFFFFFF  }
0xaa: {  	[dreg:$0x0] =	wrdreg $0x60  }
0xab: {  	[dreg:$0x2] =	wrdreg s22  }
0xac: {  	[dreg:$0x3] =	wrdreg $0x9  }
0xad: {  	_ =	task.clear_ibuf [dreg:s4], $0x4FFFF;
	_ =	strace $0x9000004F  }
0xae: {  	s26 =	simm.s32 $0x9;
	_ =	strace $0x80000051  }
0xaf: {  	_ =	swait.ge [sflag:s26], $0x1  }
0xb0: {  	[sflag:s26] =	ssyncadd.s32 $0xFFFFFFFF  }
0xb1: {  	_ =	strace $0x90000051  }
0xb2: {  	_ =	sfence  }
0xb3: {  	s28 =	sld [smem:$0x0];
	_ =	sdelay $0x1  }
0xb4: {  	s29 =	srdreg.scid  }
0xb5: {  	s30 =	sshll.u32 s29, $0xD;
	s31 =	sshrl.u32 s29, $0x2  }
0xb6: {  	s1 =	sand.u32 $0x1, s29;
	s2 =	sand.u32 $0x4000, s30;
	s0 =	sadd.s32 s31, s28  }
0xb7: {  	s1 =	sor.u32 s2, s1;
	s0 =	sshll.u32 s0, $0x11  }
0xb8: {  	s0 =	sor.u32 s0, s1  }
0xb9: {  	s0 =	sadd.s32 $0x8F2B, s0  }
0xba: {  	[sflag:s0] =	ssyncadd.remote.s32 $0x1  }
0xbb: {  	_ =	sfence.sel $0xFFFF  }
0xbc: {  	[dreg:$0x0] =	wrdreg $0xFFFFFFFF;
	(pc) =	sbr.abs _section_cstart, $3  }
0xbd: {  	[dreg:$0x1] =	wrdreg $0xFFFFFFFF  }
0xbe: {  	_ =	task.clear_ibuf [dreg:s4], $0x2FFFF;
	_ =	strace $0x9FFFFFFF  }
0xbf: {  	(tm) =	ssettm $0x7FFFFFFF  }
tec
execute0_lowered:
.L_overlay_start_1:
0x0: {  	(tag) =	ssettag $0x1  }
0x1: {  	s5 =	rddreg [dreg:$0x0]  }
0x2: {  	s0 =	rddreg [dreg:$0x1]  }
0x3: {  	_ =	strace $0x80000050;
	s1 =	stileid.u32;
	s6 =	simm.s32 $0x1  }
0x4: {  	s8 =	simm.s32 $0x2;
	s30 =	simm.s32 $0x3;
	s12 =	simm.s32 $0x0  }
0x5: {  	s9 =	simm.s32 $0x0;
	s10 =	simm.s32 $0x0;
	s4 =	sshll.u32 s1, $0x4  }
0x6: {  	s2 =	sadd.s32 $0xA000, s5;
	s3 =	sadd.s32 $0x12800, s5;
	s7 =	ssub.s32 $0x15880, s4  }
0x7: {  	s5 =	sadd.s32 $0xF3400, s5;
	[sflag:s6] =	ssyncpa.u1 $0x0;
	s6 =	sshrl.u32 s7, $0x8  }
0x8: {  	[sflag:s8] =	ssyncpa.u1 $0x0;
	s11 =	smov.u32 s4;
	s31 =	sshll.u32 s6, $0x4  }
0x9: {  	[sflag:s30] =	ssyncpa.u1 $0x0;
	s7 =	sadd.s32 $0x2, s6;
	s8 =	sadd.s32 $0x30, s31  }
.LBB2_1:
0xa: {  	p0 =	sgt.u32 s10, s6  }
0xb: {  	s13 =	sxor.u32 @!p0 $0xFFFFFFFF, s9;
	s14 =	sshrl.u32 @!p0 s11, $0x3  }
0xc: {  	s15 =	sand.u32 @!p0 $0x7, s11;
	s13 =	sand.u32 @!p0 $0x10, s13;
	s14 =	sadd.s32 @!p0 s3, s14  }
0xd: {  	[tilespmem:s13], [sflag:$0x2] =	stream.linear.gather @!p0 [hbm4b:s14+s15], $0x10, $0x38;
	[tilespmem:$0x40] =	vst v63  }
0xe: {  	p0 =	seq.s32 s9, $0x0  }
0xf: {  	p1 =	sge.u32 @!p0 s10, s7  }
0x10: {  	p0 =	por p1, p0  }
0x11: {  	s13 =	simm.s32 @!p0 $0x2  }
0x12: {  	_ =	swait.ge @!p0 [sflag:s13], $0x10  }
0x13: {  	[sflag:s13] =	ssyncset.done @!p0 $0x0  }
0x14: {  	[sflag:s13] =	ssyncadd.s32 @!p0 $0xFFFFFFF0;
	s13 =	sand.u32 @!p0 $0x10, s9  }
0x15: {  	(ifvalue) =	ssetifvalue @!p0 $0x7FFFFFFF;
	v0 =	vld.msk @!p0 [tilespmem:s13+$0x0 ss:$0x1], $0xffff;
	_ =	sdelay $0x4  }
0x16: {  	vm0 =	vgt.s32 @!p0 v0, $0x0  }
0x17: {  	v0 =	vnsel @!p0 vm0, $0x0, v0  }
0x18: {  	v0 =	vmin.u32 @!p0 v0, $0xAC44;
	_ =	sdelay $0x3  }
0x19: {  	s14 =	simm.s32 @!p0 $0x0;
	s13 =	sor.u32 @!p0 $0x20, s13;
	(ifvalue) =	ssetifvalue @!p0 $0x7FFFFFFF;
	vm0 =	vmmov @!p0 $0xffff  }
0x1a: {  	[tilespmem:s13], [sflag:$0x1] =	stream.indirect_vreg.gather @!p0 [hbm4b:s2+s14], $0x1, v0, vm0, $0x4038;
	[tilespmem:$0x40] =	vst v63  }
0x1b: {  	s14 =	simm.s32 @!p0 $0x1  }
0x1c: {  	_ =	swait.ge @!p0 [sflag:s14], $0x10  }
0x1d: {  	s15 =	sshrl.u32 @!p0 s12, $0x3;
	[sflag:s14] =	ssyncset.done @!p0 $0x0  }
0x1e: {  	s12 =	sand.u32 @!p0 $0x7, s12;
	[sflag:s14] =	ssyncadd.s32 @!p0 $0xFFFFFFF0;
	s14 =	sadd.s32 @!p0 s5, s15  }
0x1f: {  	[hbm4b:s14+s12] =	stream.linear.scatter @!p0 [tilespmem:s13], [sflag:$0x3], $0x10, $0x38;
	[tilespmem:$0x40] =	vst v63  }
0x20: {  	s14 =	sadd.s32 $0x100, s11  }
0x21: {  	s9 =	sadd.s32 $0x10, s9;
	p1 =	sgt.s32 s14, $0x15887  }
0x22: {  	s14 =	smov.u32 @p1 s4;
	p1 =	sne.s32 s8, s9  }
.Ltmp0:
0x23: {  	p0 =	slt.u32 s10, $0x2;
	(pc) =	sbr.rel @p1 .LBB2_1-.Ltmp0, $4  }
0x24: {  	s13 =	simm.s32 @!p0 $0x3  }
0x25: {  	_ =	swait.ge @!p0 [sflag:s13], $0x10  }
0x26: {  	s12 =	smov.u32 s11;
	[sflag:s13] =	ssyncset.done @!p0 $0x0  }
0x27: {  	s10 =	sadd.s32 $0x1, s10;
	s11 =	smov.u32 s14;
	[sflag:s13] =	ssyncadd.s32 @!p0 $0xFFFFFFF0  }
0x28: {  	_ =	sfence.sel $0x180000  }
0x29: {  	s2 =	simm.s32 $0x2;
	[bflag:$0x0] =	sbarrier.arrive $0xFFFF  }
0x2a: {  	s30 =	simm.s32 $0x3;
	[sflag:s2] =	ssyncpa.u1 $0x1  }
0x2b: {  	s31 =	simm.s32 $0x1;
	[sflag:s30] =	ssyncpa.u1 $0x1  }
0x2c: {  	[sflag:s31] =	ssyncpa.u1 $0x1  }
0x2d: {  	p0 =	sne.s32 s1, $0x0;
	_ =	strace $0x90000050  }
0x2e: {  	s0 =	sadd.s32 @!p0 $0x100000, s0;
	[bflag:$0x2] =	sbarrier.arrive $0xFFFF  }
0x2f: {  	[sflag:s0] =	ssyncadd.tile.s32 @!p0 $0x1;
	_ =	shalt  }
.Lfunc_end2:
_tile_overlayer_lowered:
.L_overlay_start_2:
0x30: {  	(tag) =	ssettag $0x2  }
0x31: {  	s0 =	rddreg [dreg:$0x0];
	s2 =	stileid.u32  }
0x32: {  	s1 =	rddreg [dreg:$0x1];
	p0 =	sne.s32 s2, $0x0  }
0x33: {  	s3 =	rddreg [dreg:$0x2];
	[bflag:$0x3] =	sbarrier.arrive $0xFFFF;
	s2 =	simm.s32 @!p0 $0x1C01  }
0x34: {  	[timem:s3], [sflag:s2] =	dma.local @!p0 [hbm:s0], s1  }
0x35: {  	s0 =	simm.s32 @!p0 $0x1  }
0x36: {  	_ =	swait.ge @!p0 [sflag:s0], s1  }
0x37: {  	s1 =	ssub.s32 @!p0 $0x0, s1;
	[sflag:s0] =	ssyncset.done @!p0 $0x0  }
0x38: {  	[sflag:s0] =	ssyncadd.s32 @!p0 s1  }
0x39: {  	[bflag:$0x3] =	sbarrier.arrive $0xFFFF  }
0x3a: {  	_ =	shalt  }

// kernel: gather_offload_async_start
scs
__scs_entry_jumppad:
0x0: {  	(pc) =	sbr.rel $0x88, $3  }
0x1: {  	(tag) =	ssettag $0x0;
	lr =	simm.s32 $0x1  }
0x2: {  	[smem:$0x3F9E] =	sst lr;
	_ =	strace $0xD0000000  }
0x3: {  	_ = 	snop  }
0x4: {  	_ = 	snop  }
0x5: {  	_ = 	snop  }
0x6: {  	_ = 	snop  }
0x7: {  	_ = 	snop  }
__scs_overlays_trampoline_lowered:
0x8: {  	[smem:$0x3FAD] =	sst s0  }
0x9: {  	[smem:$0x3FAE] =	sst s1  }
0xa: {  	[smem:$0x3FAF] =	sst s2  }
0xb: {  	[smem:$0x3FB0] =	sst s3  }
0xc: {  	[smem:$0x3FB1] =	sst s4  }
0xd: {  	[smem:$0x3FB2] =	sst s5  }
0xe: {  	[smem:$0x3FB3] =	sst s6  }
0xf: {  	[smem:$0x3FB4] =	sst s7  }
0x10: {  	[smem:$0x3FB5] =	sst s8  }
0x11: {  	[smem:$0x3FB6] =	sst s9;
	s0 =	simm.s32 @!p0 $0x0  }
0x12: {  	s1 =	sld [smem:$0x3F9C];
	s0 =	simm.s32 @p0 $0x1  }
0x13: {  	[smem:$0x3FB7] =	sst s0;
	s0 =	simm.s32 @!p1 $0x0  }
0x14: {  	s2 =	sld [smem:$0x3F9B];
	s0 =	simm.s32 @p1 $0x1  }
0x15: {  	[smem:$0x3FB8] =	sst s0;
	s0 =	simm.s32 @!p2 $0x0  }
0x16: {  	s3 =	sld [smem:$0x3FDB];
	s0 =	simm.s32 @p2 $0x1  }
0x17: {  	s4 =	simm.s32 $0x1BF5;
	[smem:$0x3FBA] =	sst s0  }
0x18: {  	s0 =	sld [smem:$0x3F9D];
	_ =	swait.ge [sflag:s4], $0x0  }
0x19: {  	s7 =	sld [smem:$0x3F9E]  }
0x1a: {  	s8 =	sadd.s32 $0xFFFFE003, lr  }
0x1b: {  	s9 =	sadd.s32 $0xFFFFFEF7, lr;
	s5 =	simm.s32 $0xFFFFFFFF;
	p2 =	slt.u32 s8, $0xFFFFF086  }
0x1c: {  	p1 =	slt.u32 s9, $0xF7A;
	s5 =	simm.s32 @!p2 $0x0  }
0x1d: {  	s5 =	simm.s32 @p1 $0x1;
	p0 =	seq.s32 s7, s2  }
0x1e: {  	s7 =	smul.u32 @!p0 $0xF7A, s2;
	p2 =	seq.s32 @!p0 s5, $0x0  }
0x1f: {  	s9 =	smul.u32 $0xF7A, s1;
	s8 =	simm.s32 @!p0 $0x1BF5;
	p2 =	por !p2, p0  }
0x20: {  	[sflag:s8] =	ssyncset.s32 @!p0 $0xFFFFF086;
	s6 =	sadd.s32 @!p0 s3, s7;
	s7 =	simm.s32 @!p0 $0x108  }
0x21: {  	s3 =	sadd.s32 s3, s9;
	s6 =	sadd.s32 @!p0 $0x88, s6;
	s7 =	simm.s32 @p2 $0x1082  }
0x22: {  	[simem:s7], [sflag:s8] =	dma.local @!p0 [hbm:s6], $0xF7A  }
0x23: {  	s9 =	sor.u32 $0xD0000000, s2;
	s6 =	simm.s32 $0x108;
	_ =	swait.ge @!p0 [sflag:s8], $0x0  }
0x24: {  	s3 =	sadd.s32 $0x88, s3;
	s6 =	simm.s32 @!p1 $0x1082;
	[sflag:s4] =	ssyncset.s32 $0xFFFFF086  }
0x25: {  	[simem:s6], [sflag:s4] =	dma.local [hbm:s3], $0xF7A  }
0x26: {  	[smem:$0x3F9E] =	sst s1;
	(tag) =	ssettag s2;
	_ =	strace s9  }
0x27: {  	s1 =	sld [smem:$0x3FAE]  }
0x28: {  	s2 =	sld [smem:$0x3FAF]  }
0x29: {  	s4 =	sld [smem:$0x3FB1]  }
0x2a: {  	p0 =	seq.s32 s5, $0x0;
	s5 =	sld [smem:$0x3FB2]  }
0x2b: {  	s6 =	sld [smem:$0x3FB3]  }
0x2c: {  	s7 =	sld [smem:$0x3FB4]  }
0x2d: {  	s3 =	simm.s32 $0x108;
	s8 =	sld [smem:$0x3FB5]  }
0x2e: {  	s3 =	simm.s32 @!p0 $0x1082;
	s9 =	sld [smem:$0x3FB6]  }
0x2f: {  	lr =	sadd.s32 s0, s3;
	s0 =	sld [smem:$0x3FAD]  }
0x30: {  	s3 =	sld [smem:$0x3FB0]  }
0x31: {  	[smem:$0x3FB9] =	sst s10  }
0x32: {  	s10 =	sld [smem:$0x3FB7];
	_ =	sdelay $0x3  }
0x33: {  	p0 =	seq.s32 s10, $0x1;
	s10 =	sld [smem:$0x3FB9];
	_ =	sdelay $0x3  }
0x34: {  	[smem:$0x3FB9] =	sst s10  }
0x35: {  	s10 =	sld [smem:$0x3FB8];
	_ =	sdelay $0x3  }
0x36: {  	p1 =	seq.s32 s10, $0x1;
	s10 =	sld [smem:$0x3FB9];
	_ =	sdelay $0x3  }
0x37: {  	[smem:$0x3FB9] =	sst s10  }
0x38: {  	s10 =	sld [smem:$0x3FBA]  }
0x39: {  	_ = 	snop;
	(pc) =	sbr.ind lr, $3  }
0x3a: {  	_ = 	snop  }
0x3b: {  	_ = 	snop  }
0x3c: {  	p2 =	seq.s32 s10, $0x1;
	s10 =	sld [smem:$0x3FB9]  }
0x3d: {  	_ =	shalt  }
0x3e: {  	_ =	shalt  }
0x3f: {  	_ =	shalt  }
0x40: {  	_ =	shalt  }
0x41: {  	_ =	shalt  }
0x42: {  	_ =	shalt  }
0x43: {  	_ =	shalt  }
0x44: {  	_ =	shalt  }
0x45: {  	_ =	shalt  }
0x46: {  	_ =	shalt  }
0x47: {  	_ =	shalt  }
0x48: {  	_ =	shalt  }
0x49: {  	_ =	shalt  }
0x4a: {  	_ =	shalt  }
0x4b: {  	_ =	shalt  }
0x4c: {  	_ =	shalt  }
0x4d: {  	_ =	shalt  }
0x4e: {  	_ =	shalt  }
0x4f: {  	_ =	shalt  }
0x50: {  	_ =	shalt  }
0x51: {  	_ =	shalt  }
0x52: {  	_ =	shalt  }
0x53: {  	_ =	shalt  }
0x54: {  	_ =	shalt  }
0x55: {  	_ =	shalt  }
0x56: {  	_ =	shalt  }
0x57: {  	_ =	shalt  }
0x58: {  	_ =	shalt  }
0x59: {  	_ =	shalt  }
0x5a: {  	_ =	shalt  }
0x5b: {  	_ =	shalt  }
0x5c: {  	_ =	shalt  }
0x5d: {  	_ =	shalt  }
0x5e: {  	_ =	shalt  }
0x5f: {  	_ =	shalt  }
0x60: {  	_ =	shalt  }
0x61: {  	_ =	shalt  }
0x62: {  	_ =	shalt  }
0x63: {  	_ =	shalt  }
0x64: {  	_ =	shalt  }
0x65: {  	_ =	shalt  }
0x66: {  	_ =	shalt  }
0x67: {  	_ =	shalt  }
0x68: {  	_ =	shalt  }
0x69: {  	_ =	shalt  }
0x6a: {  	_ =	shalt  }
0x6b: {  	_ =	shalt  }
0x6c: {  	_ =	shalt  }
0x6d: {  	_ =	shalt  }
0x6e: {  	_ =	shalt  }
0x6f: {  	_ =	shalt  }
0x70: {  	_ =	shalt  }
0x71: {  	_ =	shalt  }
0x72: {  	_ =	shalt  }
0x73: {  	_ =	shalt  }
0x74: {  	_ =	shalt  }
0x75: {  	_ =	shalt  }
0x76: {  	_ =	shalt  }
0x77: {  	_ =	shalt  }
0x78: {  	_ =	shalt  }
0x79: {  	_ =	shalt  }
0x7a: {  	_ =	shalt  }
0x7b: {  	_ =	shalt  }
0x7c: {  	_ =	shalt  }
0x7d: {  	_ =	shalt  }
0x7e: {  	_ =	shalt  }
0x7f: {  	_ =	shalt  }
0x80: {  	_ =	shalt  }
0x81: {  	_ =	shalt  }
0x82: {  	_ =	shalt  }
0x83: {  	_ =	shalt  }
0x84: {  	_ =	shalt  }
0x85: {  	_ =	shalt  }
0x86: {  	_ =	shalt  }
0x87: {  	_ =	shalt  }
.Lfunc_end0:
.L_simem_size_0:
called_computation_lowered:
.L_overlay_start_0:
0x88: {  	s0 =	sld [smem:$0x3FD9]  }
0x89: {  	s1 =	sld [smem:$0x3FFE];
	_ =	sdelay $0x3  }
0x8a: {  	s0 =	sadd.s32 s1, s0  }
0x8b: {  	[smem:$0x3FC5] =	sst s0  }
0x8c: {  	_ = 	snop  }
0x8d: {  	s0 =	sld [smem:$0x3FD0];
	_ =	sdelay $0x2  }
0x8e: {  	s13 =	simm.s32 $0xA;
	s2 =	simm.s32 $0x10  }
0x8f: {  	[smem:s2], [sflag:s13] =	dma.local [hbm:s0], $0x1  }
0x90: {  	_ =	swait.eq [sflag:s13], $0x1  }
0x91: {  	[sflag:s13] =	ssyncset.done $0x0  }
0x92: {  	[sflag:s13] =	ssyncadd.s32 $0xFFFFFFFF  }
0x93: {  	s14 =	sld [smem:$0x10];
	(tm) =	ssettm $0x1  }
0x94: {  	s15 =	sld [smem:$0x3FFB];
	_ =	sdelay $0x3  }
0x95: {  	_ =	strace s15  }
0x96: {  	s1 =	sld [smem:$0x3FFC];
	_ =	sdelay $0x3  }
0x97: {  	_ =	strace s1  }
0x98: {  	s1 =	sld [smem:$0x3FFD];
	_ =	sdelay $0x3  }
0x99: {  	_ =	strace s1  }
0x9a: {  	_ =	strace $0x8FFFFFFF  }
0x9b: {  	s16 =	sld [smem:$0x3FDB];
	_ =	sdelay $0x1  }
0x9c: {  	s17 =	simm.s32 $_scs_section_size  }
0x9d: {  	s3 =	simm.s32 $_size__tile_overlayer_lowered;
	s4 =	simm.s32 $_tile_overlayer_lowered  }
0x9e: {  	s20 =	simm.s32 $0x1BFF;
	s19 =	sshll.u32 s4, $0x1;
	s1 =	sadd.s32 s17, s16  }
0x9f: {  	s5 =	simm.s32 $0x0;
	s18 =	sshll.u32 s3, $0x1;
	s3 =	sadd.s32 s19, s1  }
0xa0: {  	[timem:s5], [sflag:s20] =	dma.local [hbm:s3], s18  }
0xa1: {  	_ =	swait.ge [sflag:s20], s18  }
0xa2: {  	s2 =	ssub.s32 $0x0, s18;
	[sflag:s20] =	ssyncset.done $0x0  }
0xa3: {  	[sflag:s20] =	ssyncadd.s32 s2;
	_ =	sdelay $0x1  }
0xa4: {  	s21 =	simm.s32 $0x1B8B  }
0xa5: {  	_ =	swait.ge [sflag:s21], $0x1  }
0xa6: {  	[sflag:s21] =	ssyncset.done $0x0  }
0xa7: {  	s23 =	simm.s32 $0x1B8E;
	s22 =	sld [smem:$0x3FFE];
	[sflag:s21] =	ssyncadd.s32 $0xFFFFFFFF  }
0xa8: {  	s24 =	simm.s32 $execute0_lowered;
	[smem:$0x3FD2] =	sst s23  }
0xa9: {  	s3 =	sshll.u32 s24, $0x1;
	_ =	strace $0x80000046;
	[dreg:$0x1] =	wrdreg $0xFFFFFFFF  }
0xaa: {  	s25 =	simm.s32 $_size_execute0_lowered;
	s1 =	sadd.s32 s1, s3;
	[dreg:$0x0] =	wrdreg $0x0  }
0xab: {  	s3 =	sshll.u32 s25, $0x1;
	[dreg:$0x2] =	wrdreg s1  }
0xac: {  	[dreg:$0x3] =	wrdreg s3  }
0xad: {  	[dreg:$0x4] =	wrdreg $0xC0  }
0xae: {  	_ =	task [dreg:s5], $0x5FFFF  }
0xaf: {  	[dreg:$0x1] =	wrdreg $0xFFFFFFFF  }
0xb0: {  	[dreg:$0x0] =	wrdreg $0x60  }
0xb1: {  	[dreg:$0x2] =	wrdreg s14  }
0xb2: {  	[dreg:$0x3] =	wrdreg s22  }
0xb3: {  	[dreg:$0x4] =	wrdreg $0x9  }
0xb4: {  	_ =	task.clear_ibuf [dreg:s5], $0x5FFFF;
	_ =	strace $0x90000046  }
0xb5: {  	s26 =	simm.s32 $0x9;
	_ =	strace $0x80000048  }
0xb6: {  	_ =	swait.ge [sflag:s26], $0x1  }
0xb7: {  	[sflag:s26] =	ssyncadd.s32 $0xFFFFFFFF  }
0xb8: {  	_ =	strace $0x90000048  }
0xb9: {  	_ =	sfence  }
0xba: {  	s28 =	sld [smem:$0x0];
	_ =	sdelay $0x1  }
0xbb: {  	s29 =	srdreg.scid  }
0xbc: {  	s30 =	sshll.u32 s29, $0xD;
	s31 =	sshrl.u32 s29, $0x2  }
0xbd: {  	s2 =	sand.u32 $0x4000, s30;
	s1 =	sand.u32 $0x1, s29;
	s0 =	sadd.s32 s31, s28  }
0xbe: {  	s1 =	sor.u32 s2, s1;
	s0 =	sshll.u32 s0, $0x11  }
0xbf: {  	s0 =	sor.u32 s0, s1  }
0xc0: {  	s0 =	sadd.s32 $0x8F2B, s0  }
0xc1: {  	[sflag:s0] =	ssyncadd.remote.s32 $0x1  }
0xc2: {  	_ =	sfence.sel $0xFFFF  }
0xc3: {  	[dreg:$0x0] =	wrdreg $0xFFFFFFFF;
	(pc) =	sbr.abs _section_cstart, $3  }
0xc4: {  	[dreg:$0x1] =	wrdreg $0xFFFFFFFF  }
0xc5: {  	_ =	task.clear_ibuf [dreg:s5], $0x2FFFF;
	_ =	strace $0x9FFFFFFF  }
0xc6: {  	(tm) =	ssettm $0x7FFFFFFF  }
0xc7: {  	_ =	shalt  }
tec
execute0_lowered:
.L_overlay_start_1:
0x0: {  	(tag) =	ssettag $0x1  }
0x1: {  	s2 =	rddreg [dreg:$0x0]  }
0x2: {  	s5 =	rddreg [dreg:$0x1]  }
0x3: {  	s0 =	rddreg [dreg:$0x2];
	s1 =	stileid.u32;
	_ =	strace $0x80000047  }
0x4: {  	s6 =	simm.s32 $0x1;
	s8 =	simm.s32 $0x2;
	s30 =	simm.s32 $0x3  }
0x5: {  	s12 =	simm.s32 $0x0;
	s9 =	simm.s32 $0x0;
	s4 =	sshll.u32 s1, $0x4  }
0x6: {  	s10 =	simm.s32 $0x0;
	s3 =	sadd.s32 $0x12800, s5;
	s7 =	ssub.s32 $0x15880, s4  }
0x7: {  	s5 =	sadd.s32 $0xF5400, s5;
	[sflag:s6] =	ssyncpa.u1 $0x0;
	s6 =	sshrl.u32 s7, $0x8  }
0x8: {  	[sflag:s8] =	ssyncpa.u1 $0x0;
	s11 =	smov.u32 s4;
	s31 =	sshll.u32 s6, $0x4  }
0x9: {  	[sflag:s30] =	ssyncpa.u1 $0x0;
	s7 =	sadd.s32 $0x2, s6;
	s8 =	sadd.s32 $0x30, s31  }
.LBB2_1:
0xa: {  	p0 =	sgt.u32 s10, s6  }
0xb: {  	s13 =	sxor.u32 @!p0 $0xFFFFFFFF, s9;
	s14 =	sshrl.u32 @!p0 s11, $0x3  }
0xc: {  	s15 =	sand.u32 @!p0 $0x7, s11;
	s13 =	sand.u32 @!p0 $0x10, s13;
	s14 =	sadd.s32 @!p0 s3, s14  }
0xd: {  	[tilespmem:s13], [sflag:$0x2] =	stream.linear.gather @!p0 [hbm4b:s14+s15], $0x10, $0x38;
	[tilespmem:$0x40] =	vst v63  }
0xe: {  	p0 =	seq.s32 s9, $0x0  }
0xf: {  	p1 =	sge.u32 @!p0 s10, s7  }
0x10: {  	p0 =	por p1, p0  }
0x11: {  	s13 =	simm.s32 @!p0 $0x2  }
0x12: {  	_ =	swait.ge @!p0 [sflag:s13], $0x10  }
0x13: {  	[sflag:s13] =	ssyncset.done @!p0 $0x0  }
0x14: {  	[sflag:s13] =	ssyncadd.s32 @!p0 $0xFFFFFFF0;
	s13 =	sand.u32 @!p0 $0x10, s9  }
0x15: {  	(ifvalue) =	ssetifvalue @!p0 $0x7FFFFFFF;
	v0 =	vld.msk @!p0 [tilespmem:s13+$0x0 ss:$0x1], $0xffff;
	_ =	sdelay $0x4  }
0x16: {  	vm0 =	vgt.s32 @!p0 v0, $0x0  }
0x17: {  	v0 =	vnsel @!p0 vm0, $0x0, v0  }
0x18: {  	v0 =	vmin.u32 @!p0 v0, $0xAC44;
	_ =	sdelay $0x3  }
0x19: {  	s14 =	simm.s32 @!p0 $0x0;
	s13 =	sor.u32 @!p0 $0x20, s13;
	(ifvalue) =	ssetifvalue @!p0 $0x7FFFFFFF;
	vm0 =	vmmov @!p0 $0xffff  }
0x1a: {  	[tilespmem:s13], [sflag:$0x1] =	stream.indirect_vreg.gather @!p0 [hbm4b:s2+s14], $0x1, v0, vm0, $0x4038;
	[tilespmem:$0x40] =	vst v63  }
0x1b: {  	s14 =	simm.s32 @!p0 $0x1  }
0x1c: {  	_ =	swait.ge @!p0 [sflag:s14], $0x10  }
0x1d: {  	s15 =	sshrl.u32 @!p0 s12, $0x3;
	[sflag:s14] =	ssyncset.done @!p0 $0x0  }
0x1e: {  	s12 =	sand.u32 @!p0 $0x7, s12;
	[sflag:s14] =	ssyncadd.s32 @!p0 $0xFFFFFFF0;
	s14 =	sadd.s32 @!p0 s5, s15  }
0x1f: {  	[hbm4b:s14+s12] =	stream.linear.scatter @!p0 [tilespmem:s13], [sflag:$0x3], $0x10, $0x38;
	[tilespmem:$0x40] =	vst v63  }
0x20: {  	s14 =	sadd.s32 $0x100, s11  }
0x21: {  	s9 =	sadd.s32 $0x10, s9;
	p1 =	sgt.s32 s14, $0x15887  }
0x22: {  	s14 =	smov.u32 @p1 s4;
	p1 =	sne.s32 s8, s9  }
.Ltmp0:
0x23: {  	p0 =	slt.u32 s10, $0x2;
	(pc) =	sbr.rel @p1 .LBB2_1-.Ltmp0, $4  }
0x24: {  	s13 =	simm.s32 @!p0 $0x3  }
0x25: {  	_ =	swait.ge @!p0 [sflag:s13], $0x10  }
0x26: {  	s12 =	smov.u32 s11;
	[sflag:s13] =	ssyncset.done @!p0 $0x0  }
0x27: {  	s10 =	sadd.s32 $0x1, s10;
	s11 =	smov.u32 s14;
	[sflag:s13] =	ssyncadd.s32 @!p0 $0xFFFFFFF0  }
0x28: {  	_ =	sfence.sel $0x180000  }
0x29: {  	s2 =	simm.s32 $0x2;
	[bflag:$0x0] =	sbarrier.arrive $0xFFFF  }
0x2a: {  	s30 =	simm.s32 $0x3;
	[sflag:s2] =	ssyncpa.u1 $0x1  }
0x2b: {  	s31 =	simm.s32 $0x1;
	[sflag:s30] =	ssyncpa.u1 $0x1  }
0x2c: {  	[sflag:s31] =	ssyncpa.u1 $0x1  }
0x2d: {  	p0 =	sne.s32 s1, $0x0;
	_ =	strace $0x90000047  }
0x2e: {  	s0 =	sadd.s32 @!p0 $0x100000, s0;
	[bflag:$0x2] =	sbarrier.arrive $0xFFFF  }
0x2f: {  	[sflag:s0] =	ssyncadd.tile.s32 @!p0 $0x1;
	_ =	shalt  }
.Lfunc_end2:
_tile_overlayer_lowered:
.L_overlay_start_2:
0x30: {  	(tag) =	ssettag $0x2  }
0x31: {  	s0 =	rddreg [dreg:$0x0];
	s2 =	stileid.u32  }
0x32: {  	s1 =	rddreg [dreg:$0x1];
	p0 =	sne.s32 s2, $0x0  }
0x33: {  	s3 =	rddreg [dreg:$0x2];
	[bflag:$0x3] =	sbarrier.arrive $0xFFFF;
	s2 =	simm.s32 @!p0 $0x1C01  }
0x34: {  	[timem:s3], [sflag:s2] =	dma.local @!p0 [hbm:s0], s1  }
0x35: {  	s0 =	simm.s32 @!p0 $0x1  }
0x36: {  	_ =	swait.ge @!p0 [sflag:s0], s1  }
0x37: {  	s1 =	ssub.s32 @!p0 $0x0, s1;
	[sflag:s0] =	ssyncset.done @!p0 $0x0  }
0x38: {  	[sflag:s0] =	ssyncadd.s32 @!p0 s1  }
0x39: {  	[bflag:$0x3] =	sbarrier.arrive $0xFFFF  }
0x3a: {  	_ =	shalt  }

</sc_bundles>
